<compile_context>
chip_gen: v7x
topology: tpu7x:2x2x1
jax: 0.10.2.dev20260603
libtpu: 0.0.44.dev20260713+nightly
codegen_flags: <defaults>
</compile_context>

<pallas_src>
import functools

import jax
import jax.numpy as jnp
from jax import lax
from jax.experimental import pallas as pl
from jax.experimental.pallas import tpu as pltpu
from jax.experimental.pallas import tpu_sc as plsc

VOCAB = 100000
EMBED_DIM = 128
BATCH = 4096
HIST = 200

N = BATCH * HIST
NC, NS = 2, 16
NW = NC * NS
PER_W = N // NW
CHUNK = 80
NCHUNK = PER_W // CHUNK
K = 4
GROUP = K * CHUNK
NPAIR = NCHUNK // (2 * K)

_mesh = plsc.VectorSubcoreMesh(core_axis_name="c", subcore_axis_name="s")


@functools.partial(
    pl.kernel,
    out_type=jax.ShapeDtypeStruct((N, EMBED_DIM), jnp.float32),
    mesh=_mesh,
    scratch_types=[
        pltpu.VMEM((NCHUNK, CHUNK), jnp.int32),
        pltpu.VMEM((2, GROUP, EMBED_DIM), jnp.float32),
        pltpu.SemaphoreType.DMA((2, K)),
        pltpu.SemaphoreType.DMA((2,)),
    ],
)
def _gather_kernel(x_hbm, table_hbm, out_hbm, idx_v, rings_v, gsem, ssem):
    wid = lax.axis_index("s") * NC + lax.axis_index("c")
    pltpu.sync_copy(x_hbm.at[pl.ds(wid * NCHUNK, NCHUNK)], idx_v)
    base = wid * PER_W

    def g_start(j, r, b):
        pltpu.async_copy(
            table_hbm.at[idx_v.at[j]],
            rings_v.at[r, pl.ds(b * CHUNK, CHUNK)],
            gsem.at[r, b],
        )

    def g_wait(r, b):
        pltpu.make_async_copy(
            table_hbm.at[idx_v.at[0]],
            rings_v.at[r, pl.ds(b * CHUNK, CHUNK)],
            gsem.at[r, b],
        ).wait()

    def s_start(g, r):
        pltpu.async_copy(
            rings_v.at[r], out_hbm.at[pl.ds(base + g * GROUP, GROUP)], ssem.at[r]
        )

    def s_wait(r):
        pltpu.make_async_copy(
            rings_v.at[r], out_hbm.at[pl.ds(0, GROUP)], ssem.at[r]
        ).wait()

    for r in range(2):
        for b in range(K):
            g_start(r * K + b, r, b)

    def body(t, carry):
        c0 = t * (2 * K)
        for b in range(K):
            g_wait(0, b)
        s_start(2 * t, 0)
        for b in range(K):
            g_wait(1, b)
        s_start(2 * t + 1, 1)
        s_wait(0)
        for b in range(K):
            g_start(c0 + 2 * K + b, 0, b)
        s_wait(1)
        for b in range(K):
            g_start(c0 + 3 * K + b, 1, b)
        return carry

    lax.fori_loop(0, NPAIR - 1, body, 0)

    for b in range(K):
        g_wait(0, b)
    s_start(2 * (NPAIR - 1), 0)
    for b in range(K):
        g_wait(1, b)
    s_start(2 * (NPAIR - 1) + 1, 1)
    s_wait(0)
    s_wait(1)


def kernel(x, table):
    xf = x.reshape(-1).astype(jnp.int32).reshape(N // CHUNK, CHUNK)
    out = _gather_kernel(xf, table)
    return out.reshape(BATCH, HIST, EMBED_DIM)

# --- scband reference (transcript-rebuilt; emitter-appended) ---
"""Pipeline reference for scband-sparse-embedding-2576980378143 (READ-ONLY COPY).

The authoritative reference and input builder live on the scoring server;
editing this copy changes nothing except your own understanding.
"""

import jax, jax.numpy as jnp
import numpy as np

VOCAB = 100000
EMBED_DIM = 128
BATCH = 4096
HIST = 200

def setup_inputs(seed: int = 0) -> dict:
    key = jax.random.key(seed)
    k1, k2 = jax.random.split(key)
    x = jax.random.randint(k1, (BATCH, HIST), 0, VOCAB, dtype=jnp.int64 if jax.config.jax_enable_x64 else jnp.int32)
    table = jax.random.normal(k2, (VOCAB, EMBED_DIM), dtype=jnp.float32)
    return {"x": x, "table": table}

def reference(x, table):
    # Dense (sparse=False) path of SparseEmbedding.forward: self.embedding[x, :]
    return jnp.take(table, x, axis=0)

if __name__ == "__main__":
    import jax
    _d = setup_inputs()
    print(jax.jit(kernel)(*tuple(_d.values())))

</pallas_src>

<mosaic_0001>
#map = affine_map<(d0, d1) -> (0, 0)>
module attributes {stable_mosaic.version = 14 : i64} {
  func.func @_gather_kernel(%arg0: i32, %arg1: i32, %arg2: memref<10240x80xi32, #tpu.memory_space<hbm>>, %arg3: memref<100000x128xf32, #tpu.memory_space<hbm>>, %arg4: memref<819200x128xf32, #tpu.memory_space<hbm>>, %arg5: memref<320x80xi32, #tpu.memory_space<vmem>>, %arg6: memref<2x320x128xf32, #tpu.memory_space<vmem>>, %arg7: memref<2x4x!tpu.dma_semaphore, #tpu.memory_space<semaphore_mem>>, %arg8: memref<2x!tpu.dma_semaphore, #tpu.memory_space<semaphore_mem>>) attributes {dimension_semantics = [#tpu.dimension_semantics<core_parallel>, #tpu.dimension_semantics<subcore_parallel>], iteration_bounds = array<i64: 2, 16>, scalar_prefetch = 0 : i64, scratch_operands = 4 : i64, tpu.core_type = #tpu.core_type<sc_vector_subcore>, window_params = [{transform_indices = #map}, {transform_indices = #map}, {transform_indices = #map}]} {
    %mul3A = arith.constant 2 : i32
    %mul3A_0 = arith.muli %arg1, %mul3A : i32
    %add3A = arith.addi %mul3A_0, %arg0 : i32
    %mul3A_1 = arith.constant 320 : i32
    %mul3A_2 = arith.muli %add3A, %mul3A_1 : i32
    "tpu.region"() ({
      %run_scoped3A = tpu.sem_alloc : memref<!tpu.dma_semaphore, #tpu.memory_space<semaphore_mem>>
      %dma_start3A_336 = arith.constant 0 : i32
      %dma_start3A_337 = tpu.memref_slice %arg2[%mul3A_2, %dma_start3A_336] : memref<10240x80xi32, #tpu.memory_space<hbm>> -> memref<320x80xi32, #tpu.memory_space<hbm>>
      %dma_start3A_338 = arith.constant 0 : i32
      %dma_start3A_339 = tpu.memref_slice %arg2[%mul3A_2, %dma_start3A_338] : memref<10240x80xi32, #tpu.memory_space<hbm>> -> memref<320x80xi32, #tpu.memory_space<hbm>>
      tpu.enqueue_dma source(%dma_start3A_339 : memref<320x80xi32, #tpu.memory_space<hbm>>) target(%arg5 : memref<320x80xi32, #tpu.memory_space<vmem>>) target_semaphore(%run_scoped3A : memref<!tpu.dma_semaphore, #tpu.memory_space<semaphore_mem>>)
      %dma_wait3A_340 = arith.constant 0 : i32
      %dma_wait3A_341 = tpu.memref_slice %arg2[%mul3A_2, %dma_wait3A_340] : memref<10240x80xi32, #tpu.memory_space<hbm>> -> memref<320x80xi32, #tpu.memory_space<hbm>>
      %dma_wait3A_342 = arith.constant 0 : i32
      %dma_wait3A_343 = tpu.memref_slice %arg2[%mul3A_2, %dma_wait3A_342] : memref<10240x80xi32, #tpu.memory_space<hbm>> -> memref<320x80xi32, #tpu.memory_space<hbm>>
      tpu.wait_dma2 semaphore(%run_scoped3A : memref<!tpu.dma_semaphore, #tpu.memory_space<semaphore_mem>>) src(%dma_wait3A_343 : memref<320x80xi32, #tpu.memory_space<hbm>>) dst(%arg5 : memref<320x80xi32, #tpu.memory_space<vmem>>)
      tpu.yield
    }) : () -> ()
    %mul3A_3 = arith.constant 25600 : i32
    %mul3A_4 = arith.muli %add3A, %mul3A_3 : i32
    %dma_start3A = arith.constant 0 : i32
    %dma_start3A_5 = arith.constant 0 : i32
    %dma_start3A_6 = arith.constant 0 : i32
    %dma_start3A_7 = arith.constant 0 : i32
    %dma_start3A_8 = arith.constant 0 : i32
    %dma_start3A_9 = arith.constant 0 : i32
    %dma_start3A_10 = tpu.memref_slice %arg6[%dma_start3A_5, %dma_start3A_8, %dma_start3A_9] : memref<2x320x128xf32, #tpu.memory_space<vmem>> -> memref<1x80x128xf32, #tpu.memory_space<vmem>>
    %dma_start3A_11 = tpu.memref_squeeze %dma_start3A_10 : memref<1x80x128xf32, #tpu.memory_space<vmem>> -> memref<80x128xf32, #tpu.memory_space<vmem>>
    %dma_start3A_12 = arith.constant 0 : i32
    %dma_start3A_13 = tpu.memref_slice %arg5[%dma_start3A, %dma_start3A_12] : memref<320x80xi32, #tpu.memory_space<vmem>> -> memref<1x80xi32, #tpu.memory_space<vmem>>
    %dma_start3A_14 = tpu.memref_squeeze %dma_start3A_13 : memref<1x80xi32, #tpu.memory_space<vmem>> -> memref<80xi32, #tpu.memory_space<vmem>>
    %dma_start3A_15 = arith.constant 0 : i32
    %dma_start3A_16 = arith.constant 0 : i32
    %dma_start3A_17 = tpu.memref_slice %arg3[%dma_start3A_15, %dma_start3A_16] : memref<100000x128xf32, #tpu.memory_space<hbm>> -> memref<100000x128xf32, #tpu.memory_space<hbm>>
    %dma_start3A_18 = tpu.memref_slice %arg7[%dma_start3A_6, %dma_start3A_7] : memref<2x4x!tpu.dma_semaphore, #tpu.memory_space<semaphore_mem>> -> memref<1x1x!tpu.dma_semaphore, #tpu.memory_space<semaphore_mem>>
    %dma_start3A_19 = tpu.memref_squeeze %dma_start3A_18 : memref<1x1x!tpu.dma_semaphore, #tpu.memory_space<semaphore_mem>> -> memref<!tpu.dma_semaphore, #tpu.memory_space<semaphore_mem>>
    tpu.enqueue_indirect_dma source(%dma_start3A_17 : memref<100000x128xf32, #tpu.memory_space<hbm>>) target(%dma_start3A_11 : memref<80x128xf32, #tpu.memory_space<vmem>>) offsets(%dma_start3A_14 : memref<80xi32, #tpu.memory_space<vmem>>) semaphore(%dma_start3A_19 : memref<!tpu.dma_semaphore, #tpu.memory_space<semaphore_mem>>)
    %dma_start3A_20 = arith.constant 1 : i32
    %dma_start3A_21 = arith.constant 0 : i32
    %dma_start3A_22 = arith.constant 0 : i32
    %dma_start3A_23 = arith.constant 1 : i32
    %dma_start3A_24 = arith.constant 80 : i32
    %dma_start3A_25 = arith.constant 0 : i32
    %dma_start3A_26 = tpu.memref_slice %arg6[%dma_start3A_21, %dma_start3A_24, %dma_start3A_25] : memref<2x320x128xf32, #tpu.memory_space<vmem>> -> memref<1x80x128xf32, #tpu.memory_space<vmem>>
    %dma_start3A_27 = tpu.memref_squeeze %dma_start3A_26 : memref<1x80x128xf32, #tpu.memory_space<vmem>> -> memref<80x128xf32, #tpu.memory_space<vmem>>
    %dma_start3A_28 = arith.constant 0 : i32
    %dma_start3A_29 = tpu.memref_slice %arg5[%dma_start3A_20, %dma_start3A_28] : memref<320x80xi32, #tpu.memory_space<vmem>> -> memref<1x80xi32, #tpu.memory_space<vmem>>
    %dma_start3A_30 = tpu.memref_squeeze %dma_start3A_29 : memref<1x80xi32, #tpu.memory_space<vmem>> -> memref<80xi32, #tpu.memory_space<vmem>>
    %dma_start3A_31 = arith.constant 0 : i32
    %dma_start3A_32 = arith.constant 0 : i32
    %dma_start3A_33 = tpu.memref_slice %arg3[%dma_start3A_31, %dma_start3A_32] : memref<100000x128xf32, #tpu.memory_space<hbm>> -> memref<100000x128xf32, #tpu.memory_space<hbm>>
    %dma_start3A_34 = tpu.memref_slice %arg7[%dma_start3A_22, %dma_start3A_23] : memref<2x4x!tpu.dma_semaphore, #tpu.memory_space<semaphore_mem>> -> memref<1x1x!tpu.dma_semaphore, #tpu.memory_space<semaphore_mem>>
    %dma_start3A_35 = tpu.memref_squeeze %dma_start3A_34 : memref<1x1x!tpu.dma_semaphore, #tpu.memory_space<semaphore_mem>> -> memref<!tpu.dma_semaphore, #tpu.memory_space<semaphore_mem>>
    tpu.enqueue_indirect_dma source(%dma_start3A_33 : memref<100000x128xf32, #tpu.memory_space<hbm>>) target(%dma_start3A_27 : memref<80x128xf32, #tpu.memory_space<vmem>>) offsets(%dma_start3A_30 : memref<80xi32, #tpu.memory_space<vmem>>) semaphore(%dma_start3A_35 : memref<!tpu.dma_semaphore, #tpu.memory_space<semaphore_mem>>)
    %dma_start3A_36 = arith.constant 2 : i32
    %dma_start3A_37 = arith.constant 0 : i32
    %dma_start3A_38 = arith.constant 0 : i32
    %dma_start3A_39 = arith.constant 2 : i32
    %dma_start3A_40 = arith.constant 160 : i32
    %dma_start3A_41 = arith.constant 0 : i32
    %dma_start3A_42 = tpu.memref_slice %arg6[%dma_start3A_37, %dma_start3A_40, %dma_start3A_41] : memref<2x320x128xf32, #tpu.memory_space<vmem>> -> memref<1x80x128xf32, #tpu.memory_space<vmem>>
    %dma_start3A_43 = tpu.memref_squeeze %dma_start3A_42 : memref<1x80x128xf32, #tpu.memory_space<vmem>> -> memref<80x128xf32, #tpu.memory_space<vmem>>
    %dma_start3A_44 = arith.constant 0 : i32
    %dma_start3A_45 = tpu.memref_slice %arg5[%dma_start3A_36, %dma_start3A_44] : memref<320x80xi32, #tpu.memory_space<vmem>> -> memref<1x80xi32, #tpu.memory_space<vmem>>
    %dma_start3A_46 = tpu.memref_squeeze %dma_start3A_45 : memref<1x80xi32, #tpu.memory_space<vmem>> -> memref<80xi32, #tpu.memory_space<vmem>>
    %dma_start3A_47 = arith.constant 0 : i32
    %dma_start3A_48 = arith.constant 0 : i32
    %dma_start3A_49 = tpu.memref_slice %arg3[%dma_start3A_47, %dma_start3A_48] : memref<100000x128xf32, #tpu.memory_space<hbm>> -> memref<100000x128xf32, #tpu.memory_space<hbm>>
    %dma_start3A_50 = tpu.memref_slice %arg7[%dma_start3A_38, %dma_start3A_39] : memref<2x4x!tpu.dma_semaphore, #tpu.memory_space<semaphore_mem>> -> memref<1x1x!tpu.dma_semaphore, #tpu.memory_space<semaphore_mem>>
    %dma_start3A_51 = tpu.memref_squeeze %dma_start3A_50 : memref<1x1x!tpu.dma_semaphore, #tpu.memory_space<semaphore_mem>> -> memref<!tpu.dma_semaphore, #tpu.memory_space<semaphore_mem>>
    tpu.enqueue_indirect_dma source(%dma_start3A_49 : memref<100000x128xf32, #tpu.memory_space<hbm>>) target(%dma_start3A_43 : memref<80x128xf32, #tpu.memory_space<vmem>>) offsets(%dma_start3A_46 : memref<80xi32, #tpu.memory_space<vmem>>) semaphore(%dma_start3A_51 : memref<!tpu.dma_semaphore, #tpu.memory_space<semaphore_mem>>)
    %dma_start3A_52 = arith.constant 3 : i32
    %dma_start3A_53 = arith.constant 0 : i32
    %dma_start3A_54 = arith.constant 0 : i32
    %dma_start3A_55 = arith.constant 3 : i32
    %dma_start3A_56 = arith.constant 240 : i32
    %dma_start3A_57 = arith.constant 0 : i32
    %dma_start3A_58 = tpu.memref_slice %arg6[%dma_start3A_53, %dma_start3A_56, %dma_start3A_57] : memref<2x320x128xf32, #tpu.memory_space<vmem>> -> memref<1x80x128xf32, #tpu.memory_space<vmem>>
    %dma_start3A_59 = tpu.memref_squeeze %dma_start3A_58 : memref<1x80x128xf32, #tpu.memory_space<vmem>> -> memref<80x128xf32, #tpu.memory_space<vmem>>
    %dma_start3A_60 = arith.constant 0 : i32
    %dma_start3A_61 = tpu.memref_slice %arg5[%dma_start3A_52, %dma_start3A_60] : memref<320x80xi32, #tpu.memory_space<vmem>> -> memref<1x80xi32, #tpu.memory_space<vmem>>
    %dma_start3A_62 = tpu.memref_squeeze %dma_start3A_61 : memref<1x80xi32, #tpu.memory_space<vmem>> -> memref<80xi32, #tpu.memory_space<vmem>>
    %dma_start3A_63 = arith.constant 0 : i32
    %dma_start3A_64 = arith.constant 0 : i32
    %dma_start3A_65 = tpu.memref_slice %arg3[%dma_start3A_63, %dma_start3A_64] : memref<100000x128xf32, #tpu.memory_space<hbm>> -> memref<100000x128xf32, #tpu.memory_space<hbm>>
    %dma_start3A_66 = tpu.memref_slice %arg7[%dma_start3A_54, %dma_start3A_55] : memref<2x4x!tpu.dma_semaphore, #tpu.memory_space<semaphore_mem>> -> memref<1x1x!tpu.dma_semaphore, #tpu.memory_space<semaphore_mem>>
    %dma_start3A_67 = tpu.memref_squeeze %dma_start3A_66 : memref<1x1x!tpu.dma_semaphore, #tpu.memory_space<semaphore_mem>> -> memref<!tpu.dma_semaphore, #tpu.memory_space<semaphore_mem>>
    tpu.enqueue_indirect_dma source(%dma_start3A_65 : memref<100000x128xf32, #tpu.memory_space<hbm>>) target(%dma_start3A_59 : memref<80x128xf32, #tpu.memory_space<vmem>>) offsets(%dma_start3A_62 : memref<80xi32, #tpu.memory_space<vmem>>) semaphore(%dma_start3A_67 : memref<!tpu.dma_semaphore, #tpu.memory_space<semaphore_mem>>)
    %dma_start3A_68 = arith.constant 4 : i32
    %dma_start3A_69 = arith.constant 1 : i32
    %dma_start3A_70 = arith.constant 1 : i32
    %dma_start3A_71 = arith.constant 0 : i32
    %dma_start3A_72 = arith.constant 0 : i32
    %dma_start3A_73 = arith.constant 0 : i32
    %dma_start3A_74 = tpu.memref_slice %arg6[%dma_start3A_69, %dma_start3A_72, %dma_start3A_73] : memref<2x320x128xf32, #tpu.memory_space<vmem>> -> memref<1x80x128xf32, #tpu.memory_space<vmem>>
    %dma_start3A_75 = tpu.memref_squeeze %dma_start3A_74 : memref<1x80x128xf32, #tpu.memory_space<vmem>> -> memref<80x128xf32, #tpu.memory_space<vmem>>
    %dma_start3A_76 = arith.constant 0 : i32
    %dma_start3A_77 = tpu.memref_slice %arg5[%dma_start3A_68, %dma_start3A_76] : memref<320x80xi32, #tpu.memory_space<vmem>> -> memref<1x80xi32, #tpu.memory_space<vmem>>
    %dma_start3A_78 = tpu.memref_squeeze %dma_start3A_77 : memref<1x80xi32, #tpu.memory_space<vmem>> -> memref<80xi32, #tpu.memory_space<vmem>>
    %dma_start3A_79 = arith.constant 0 : i32
    %dma_start3A_80 = arith.constant 0 : i32
    %dma_start3A_81 = tpu.memref_slice %arg3[%dma_start3A_79, %dma_start3A_80] : memref<100000x128xf32, #tpu.memory_space<hbm>> -> memref<100000x128xf32, #tpu.memory_space<hbm>>
    %dma_start3A_82 = tpu.memref_slice %arg7[%dma_start3A_70, %dma_start3A_71] : memref<2x4x!tpu.dma_semaphore, #tpu.memory_space<semaphore_mem>> -> memref<1x1x!tpu.dma_semaphore, #tpu.memory_space<semaphore_mem>>
    %dma_start3A_83 = tpu.memref_squeeze %dma_start3A_82 : memref<1x1x!tpu.dma_semaphore, #tpu.memory_space<semaphore_mem>> -> memref<!tpu.dma_semaphore, #tpu.memory_space<semaphore_mem>>
    tpu.enqueue_indirect_dma source(%dma_start3A_81 : memref<100000x128xf32, #tpu.memory_space<hbm>>) target(%dma_start3A_75 : memref<80x128xf32, #tpu.memory_space<vmem>>) offsets(%dma_start3A_78 : memref<80xi32, #tpu.memory_space<vmem>>) semaphore(%dma_start3A_83 : memref<!tpu.dma_semaphore, #tpu.memory_space<semaphore_mem>>)
    %dma_start3A_84 = arith.constant 5 : i32
    %dma_start3A_85 = arith.constant 1 : i32
    %dma_start3A_86 = arith.constant 1 : i32
    %dma_start3A_87 = arith.constant 1 : i32
    %dma_start3A_88 = arith.constant 80 : i32
    %dma_start3A_89 = arith.constant 0 : i32
    %dma_start3A_90 = tpu.memref_slice %arg6[%dma_start3A_85, %dma_start3A_88, %dma_start3A_89] : memref<2x320x128xf32, #tpu.memory_space<vmem>> -> memref<1x80x128xf32, #tpu.memory_space<vmem>>
    %dma_start3A_91 = tpu.memref_squeeze %dma_start3A_90 : memref<1x80x128xf32, #tpu.memory_space<vmem>> -> memref<80x128xf32, #tpu.memory_space<vmem>>
    %dma_start3A_92 = arith.constant 0 : i32
    %dma_start3A_93 = tpu.memref_slice %arg5[%dma_start3A_84, %dma_start3A_92] : memref<320x80xi32, #tpu.memory_space<vmem>> -> memref<1x80xi32, #tpu.memory_space<vmem>>
    %dma_start3A_94 = tpu.memref_squeeze %dma_start3A_93 : memref<1x80xi32, #tpu.memory_space<vmem>> -> memref<80xi32, #tpu.memory_space<vmem>>
    %dma_start3A_95 = arith.constant 0 : i32
    %dma_start3A_96 = arith.constant 0 : i32
    %dma_start3A_97 = tpu.memref_slice %arg3[%dma_start3A_95, %dma_start3A_96] : memref<100000x128xf32, #tpu.memory_space<hbm>> -> memref<100000x128xf32, #tpu.memory_space<hbm>>
    %dma_start3A_98 = tpu.memref_slice %arg7[%dma_start3A_86, %dma_start3A_87] : memref<2x4x!tpu.dma_semaphore, #tpu.memory_space<semaphore_mem>> -> memref<1x1x!tpu.dma_semaphore, #tpu.memory_space<semaphore_mem>>
    %dma_start3A_99 = tpu.memref_squeeze %dma_start3A_98 : memref<1x1x!tpu.dma_semaphore, #tpu.memory_space<semaphore_mem>> -> memref<!tpu.dma_semaphore, #tpu.memory_space<semaphore_mem>>
    tpu.enqueue_indirect_dma source(%dma_start3A_97 : memref<100000x128xf32, #tpu.memory_space<hbm>>) target(%dma_start3A_91 : memref<80x128xf32, #tpu.memory_space<vmem>>) offsets(%dma_start3A_94 : memref<80xi32, #tpu.memory_space<vmem>>) semaphore(%dma_start3A_99 : memref<!tpu.dma_semaphore, #tpu.memory_space<semaphore_mem>>)
    %dma_start3A_100 = arith.constant 6 : i32
    %dma_start3A_101 = arith.constant 1 : i32
    %dma_start3A_102 = arith.constant 1 : i32
    %dma_start3A_103 = arith.constant 2 : i32
    %dma_start3A_104 = arith.constant 160 : i32
    %dma_start3A_105 = arith.constant 0 : i32
    %dma_start3A_106 = tpu.memref_slice %arg6[%dma_start3A_101, %dma_start3A_104, %dma_start3A_105] : memref<2x320x128xf32, #tpu.memory_space<vmem>> -> memref<1x80x128xf32, #tpu.memory_space<vmem>>
    %dma_start3A_107 = tpu.memref_squeeze %dma_start3A_106 : memref<1x80x128xf32, #tpu.memory_space<vmem>> -> memref<80x128xf32, #tpu.memory_space<vmem>>
    %dma_start3A_108 = arith.constant 0 : i32
    %dma_start3A_109 = tpu.memref_slice %arg5[%dma_start3A_100, %dma_start3A_108] : memref<320x80xi32, #tpu.memory_space<vmem>> -> memref<1x80xi32, #tpu.memory_space<vmem>>
    %dma_start3A_110 = tpu.memref_squeeze %dma_start3A_109 : memref<1x80xi32, #tpu.memory_space<vmem>> -> memref<80xi32, #tpu.memory_space<vmem>>
    %dma_start3A_111 = arith.constant 0 : i32
    %dma_start3A_112 = arith.constant 0 : i32
    %dma_start3A_113 = tpu.memref_slice %arg3[%dma_start3A_111, %dma_start3A_112] : memref<100000x128xf32, #tpu.memory_space<hbm>> -> memref<100000x128xf32, #tpu.memory_space<hbm>>
    %dma_start3A_114 = tpu.memref_slice %arg7[%dma_start3A_102, %dma_start3A_103] : memref<2x4x!tpu.dma_semaphore, #tpu.memory_space<semaphore_mem>> -> memref<1x1x!tpu.dma_semaphore, #tpu.memory_space<semaphore_mem>>
    %dma_start3A_115 = tpu.memref_squeeze %dma_start3A_114 : memref<1x1x!tpu.dma_semaphore, #tpu.memory_space<semaphore_mem>> -> memref<!tpu.dma_semaphore, #tpu.memory_space<semaphore_mem>>
    tpu.enqueue_indirect_dma source(%dma_start3A_113 : memref<100000x128xf32, #tpu.memory_space<hbm>>) target(%dma_start3A_107 : memref<80x128xf32, #tpu.memory_space<vmem>>) offsets(%dma_start3A_110 : memref<80xi32, #tpu.memory_space<vmem>>) semaphore(%dma_start3A_115 : memref<!tpu.dma_semaphore, #tpu.memory_space<semaphore_mem>>)
    %dma_start3A_116 = arith.constant 7 : i32
    %dma_start3A_117 = arith.constant 1 : i32
    %dma_start3A_118 = arith.constant 1 : i32
    %dma_start3A_119 = arith.constant 3 : i32
    %dma_start3A_120 = arith.constant 240 : i32
    %dma_start3A_121 = arith.constant 0 : i32
    %dma_start3A_122 = tpu.memref_slice %arg6[%dma_start3A_117, %dma_start3A_120, %dma_start3A_121] : memref<2x320x128xf32, #tpu.memory_space<vmem>> -> memref<1x80x128xf32, #tpu.memory_space<vmem>>
    %dma_start3A_123 = tpu.memref_squeeze %dma_start3A_122 : memref<1x80x128xf32, #tpu.memory_space<vmem>> -> memref<80x128xf32, #tpu.memory_space<vmem>>
    %dma_start3A_124 = arith.constant 0 : i32
    %dma_start3A_125 = tpu.memref_slice %arg5[%dma_start3A_116, %dma_start3A_124] : memref<320x80xi32, #tpu.memory_space<vmem>> -> memref<1x80xi32, #tpu.memory_space<vmem>>
    %dma_start3A_126 = tpu.memref_squeeze %dma_start3A_125 : memref<1x80xi32, #tpu.memory_space<vmem>> -> memref<80xi32, #tpu.memory_space<vmem>>
    %dma_start3A_127 = arith.constant 0 : i32
    %dma_start3A_128 = arith.constant 0 : i32
    %dma_start3A_129 = tpu.memref_slice %arg3[%dma_start3A_127, %dma_start3A_128] : memref<100000x128xf32, #tpu.memory_space<hbm>> -> memref<100000x128xf32, #tpu.memory_space<hbm>>
    %dma_start3A_130 = tpu.memref_slice %arg7[%dma_start3A_118, %dma_start3A_119] : memref<2x4x!tpu.dma_semaphore, #tpu.memory_space<semaphore_mem>> -> memref<1x1x!tpu.dma_semaphore, #tpu.memory_space<semaphore_mem>>
    %dma_start3A_131 = tpu.memref_squeeze %dma_start3A_130 : memref<1x1x!tpu.dma_semaphore, #tpu.memory_space<semaphore_mem>> -> memref<!tpu.dma_semaphore, #tpu.memory_space<semaphore_mem>>
    tpu.enqueue_indirect_dma source(%dma_start3A_129 : memref<100000x128xf32, #tpu.memory_space<hbm>>) target(%dma_start3A_123 : memref<80x128xf32, #tpu.memory_space<vmem>>) offsets(%dma_start3A_126 : memref<80xi32, #tpu.memory_space<vmem>>) semaphore(%dma_start3A_131 : memref<!tpu.dma_semaphore, #tpu.memory_space<semaphore_mem>>)
    %scan3A = arith.constant 0 : i32
    %scan3A_132 = arith.constant 0 : i32
    %scan3A_133 = arith.constant 39 : i32
    %scan3A_134 = arith.addi %scan3A_132, %scan3A_133 : i32
    %scan3A_135 = arith.constant 1 : i32
    scf.for %scan3A_336 = %scan3A_132 to %scan3A_134 step %scan3A_135  : i32 {
      %mul3A_337 = arith.constant 8 : i32
      %mul3A_338 = arith.muli %scan3A_336, %mul3A_337 : i32
      %dma_wait3A_339 = arith.constant 0 : i32
      %dma_wait3A_340 = arith.constant 0 : i32
      %dma_wait3A_341 = arith.constant 0 : i32
      %dma_wait3A_342 = arith.constant 0 : i32
      %dma_wait3A_343 = arith.constant 0 : i32
      %dma_wait3A_344 = arith.constant 0 : i32
      %dma_wait3A_345 = tpu.memref_slice %arg6[%dma_wait3A_340, %dma_wait3A_343, %dma_wait3A_344] : memref<2x320x128xf32, #tpu.memory_space<vmem>> -> memref<1x80x128xf32, #tpu.memory_space<vmem>>
      %dma_wait3A_346 = tpu.memref_squeeze %dma_wait3A_345 : memref<1x80x128xf32, #tpu.memory_space<vmem>> -> memref<80x128xf32, #tpu.memory_space<vmem>>
      %dma_wait3A_347 = arith.constant 0 : i32
      %dma_wait3A_348 = tpu.memref_slice %arg5[%dma_wait3A_339, %dma_wait3A_347] : memref<320x80xi32, #tpu.memory_space<vmem>> -> memref<1x80xi32, #tpu.memory_space<vmem>>
      %dma_wait3A_349 = tpu.memref_squeeze %dma_wait3A_348 : memref<1x80xi32, #tpu.memory_space<vmem>> -> memref<80xi32, #tpu.memory_space<vmem>>
      %dma_wait3A_350 = arith.constant 0 : i32
      %dma_wait3A_351 = arith.constant 0 : i32
      %dma_wait3A_352 = tpu.memref_slice %arg3[%dma_wait3A_350, %dma_wait3A_351] : memref<100000x128xf32, #tpu.memory_space<hbm>> -> memref<100000x128xf32, #tpu.memory_space<hbm>>
      %dma_wait3A_353 = tpu.memref_slice %arg7[%dma_wait3A_341, %dma_wait3A_342] : memref<2x4x!tpu.dma_semaphore, #tpu.memory_space<semaphore_mem>> -> memref<1x1x!tpu.dma_semaphore, #tpu.memory_space<semaphore_mem>>
      %dma_wait3A_354 = tpu.memref_squeeze %dma_wait3A_353 : memref<1x1x!tpu.dma_semaphore, #tpu.memory_space<semaphore_mem>> -> memref<!tpu.dma_semaphore, #tpu.memory_space<semaphore_mem>>
      tpu.wait_indirect_dma semaphore(%dma_wait3A_354 : memref<!tpu.dma_semaphore, #tpu.memory_space<semaphore_mem>>) src(%dma_wait3A_352 : memref<100000x128xf32, #tpu.memory_space<hbm>>) dst(%dma_wait3A_346 : memref<80x128xf32, #tpu.memory_space<vmem>>)
      %dma_wait3A_355 = arith.constant 0 : i32
      %dma_wait3A_356 = arith.constant 0 : i32
      %dma_wait3A_357 = arith.constant 0 : i32
      %dma_wait3A_358 = arith.constant 1 : i32
      %dma_wait3A_359 = arith.constant 80 : i32
      %dma_wait3A_360 = arith.constant 0 : i32
      %dma_wait3A_361 = tpu.memref_slice %arg6[%dma_wait3A_356, %dma_wait3A_359, %dma_wait3A_360] : memref<2x320x128xf32, #tpu.memory_space<vmem>> -> memref<1x80x128xf32, #tpu.memory_space<vmem>>
      %dma_wait3A_362 = tpu.memref_squeeze %dma_wait3A_361 : memref<1x80x128xf32, #tpu.memory_space<vmem>> -> memref<80x128xf32, #tpu.memory_space<vmem>>
      %dma_wait3A_363 = arith.constant 0 : i32
      %dma_wait3A_364 = tpu.memref_slice %arg5[%dma_wait3A_355, %dma_wait3A_363] : memref<320x80xi32, #tpu.memory_space<vmem>> -> memref<1x80xi32, #tpu.memory_space<vmem>>
      %dma_wait3A_365 = tpu.memref_squeeze %dma_wait3A_364 : memref<1x80xi32, #tpu.memory_space<vmem>> -> memref<80xi32, #tpu.memory_space<vmem>>
      %dma_wait3A_366 = arith.constant 0 : i32
      %dma_wait3A_367 = arith.constant 0 : i32
      %dma_wait3A_368 = tpu.memref_slice %arg3[%dma_wait3A_366, %dma_wait3A_367] : memref<100000x128xf32, #tpu.memory_space<hbm>> -> memref<100000x128xf32, #tpu.memory_space<hbm>>
      %dma_wait3A_369 = tpu.memref_slice %arg7[%dma_wait3A_357, %dma_wait3A_358] : memref<2x4x!tpu.dma_semaphore, #tpu.memory_space<semaphore_mem>> -> memref<1x1x!tpu.dma_semaphore, #tpu.memory_space<semaphore_mem>>
      %dma_wait3A_370 = tpu.memref_squeeze %dma_wait3A_369 : memref<1x1x!tpu.dma_semaphore, #tpu.memory_space<semaphore_mem>> -> memref<!tpu.dma_semaphore, #tpu.memory_space<semaphore_mem>>
      tpu.wait_indirect_dma semaphore(%dma_wait3A_370 : memref<!tpu.dma_semaphore, #tpu.memory_space<semaphore_mem>>) src(%dma_wait3A_368 : memref<100000x128xf32, #tpu.memory_space<hbm>>) dst(%dma_wait3A_362 : memref<80x128xf32, #tpu.memory_space<vmem>>)
      %dma_wait3A_371 = arith.constant 0 : i32
      %dma_wait3A_372 = arith.constant 0 : i32
      %dma_wait3A_373 = arith.constant 0 : i32
      %dma_wait3A_374 = arith.constant 2 : i32
      %dma_wait3A_375 = arith.constant 160 : i32
      %dma_wait3A_376 = arith.constant 0 : i32
      %dma_wait3A_377 = tpu.memref_slice %arg6[%dma_wait3A_372, %dma_wait3A_375, %dma_wait3A_376] : memref<2x320x128xf32, #tpu.memory_space<vmem>> -> memref<1x80x128xf32, #tpu.memory_space<vmem>>
      %dma_wait3A_378 = tpu.memref_squeeze %dma_wait3A_377 : memref<1x80x128xf32, #tpu.memory_space<vmem>> -> memref<80x128xf32, #tpu.memory_space<vmem>>
      %dma_wait3A_379 = arith.constant 0 : i32
      %dma_wait3A_380 = tpu.memref_slice %arg5[%dma_wait3A_371, %dma_wait3A_379] : memref<320x80xi32, #tpu.memory_space<vmem>> -> memref<1x80xi32, #tpu.memory_space<vmem>>
      %dma_wait3A_381 = tpu.memref_squeeze %dma_wait3A_380 : memref<1x80xi32, #tpu.memory_space<vmem>> -> memref<80xi32, #tpu.memory_space<vmem>>
      %dma_wait3A_382 = arith.constant 0 : i32
      %dma_wait3A_383 = arith.constant 0 : i32
      %dma_wait3A_384 = tpu.memref_slice %arg3[%dma_wait3A_382, %dma_wait3A_383] : memref<100000x128xf32, #tpu.memory_space<hbm>> -> memref<100000x128xf32, #tpu.memory_space<hbm>>
      %dma_wait3A_385 = tpu.memref_slice %arg7[%dma_wait3A_373, %dma_wait3A_374] : memref<2x4x!tpu.dma_semaphore, #tpu.memory_space<semaphore_mem>> -> memref<1x1x!tpu.dma_semaphore, #tpu.memory_space<semaphore_mem>>
      %dma_wait3A_386 = tpu.memref_squeeze %dma_wait3A_385 : memref<1x1x!tpu.dma_semaphore, #tpu.memory_space<semaphore_mem>> -> memref<!tpu.dma_semaphore, #tpu.memory_space<semaphore_mem>>
      tpu.wait_indirect_dma semaphore(%dma_wait3A_386 : memref<!tpu.dma_semaphore, #tpu.memory_space<semaphore_mem>>) src(%dma_wait3A_384 : memref<100000x128xf32, #tpu.memory_space<hbm>>) dst(%dma_wait3A_378 : memref<80x128xf32, #tpu.memory_space<vmem>>)
      %dma_wait3A_387 = arith.constant 0 : i32
      %dma_wait3A_388 = arith.constant 0 : i32
      %dma_wait3A_389 = arith.constant 0 : i32
      %dma_wait3A_390 = arith.constant 3 : i32
      %dma_wait3A_391 = arith.constant 240 : i32
      %dma_wait3A_392 = arith.constant 0 : i32
      %dma_wait3A_393 = tpu.memref_slice %arg6[%dma_wait3A_388, %dma_wait3A_391, %dma_wait3A_392] : memref<2x320x128xf32, #tpu.memory_space<vmem>> -> memref<1x80x128xf32, #tpu.memory_space<vmem>>
      %dma_wait3A_394 = tpu.memref_squeeze %dma_wait3A_393 : memref<1x80x128xf32, #tpu.memory_space<vmem>> -> memref<80x128xf32, #tpu.memory_space<vmem>>
      %dma_wait3A_395 = arith.constant 0 : i32
      %dma_wait3A_396 = tpu.memref_slice %arg5[%dma_wait3A_387, %dma_wait3A_395] : memref<320x80xi32, #tpu.memory_space<vmem>> -> memref<1x80xi32, #tpu.memory_space<vmem>>
      %dma_wait3A_397 = tpu.memref_squeeze %dma_wait3A_396 : memref<1x80xi32, #tpu.memory_space<vmem>> -> memref<80xi32, #tpu.memory_space<vmem>>
      %dma_wait3A_398 = arith.constant 0 : i32
      %dma_wait3A_399 = arith.constant 0 : i32
      %dma_wait3A_400 = tpu.memref_slice %arg3[%dma_wait3A_398, %dma_wait3A_399] : memref<100000x128xf32, #tpu.memory_space<hbm>> -> memref<100000x128xf32, #tpu.memory_space<hbm>>
      %dma_wait3A_401 = tpu.memref_slice %arg7[%dma_wait3A_389, %dma_wait3A_390] : memref<2x4x!tpu.dma_semaphore, #tpu.memory_space<semaphore_mem>> -> memref<1x1x!tpu.dma_semaphore, #tpu.memory_space<semaphore_mem>>
      %dma_wait3A_402 = tpu.memref_squeeze %dma_wait3A_401 : memref<1x1x!tpu.dma_semaphore, #tpu.memory_space<semaphore_mem>> -> memref<!tpu.dma_semaphore, #tpu.memory_space<semaphore_mem>>
      tpu.wait_indirect_dma semaphore(%dma_wait3A_402 : memref<!tpu.dma_semaphore, #tpu.memory_space<semaphore_mem>>) src(%dma_wait3A_400 : memref<100000x128xf32, #tpu.memory_space<hbm>>) dst(%dma_wait3A_394 : memref<80x128xf32, #tpu.memory_space<vmem>>)
      %mul3A_403 = arith.constant 2 : i32
      %mul3A_404 = arith.muli %mul3A_403, %scan3A_336 : i32
      %mul3A_405 = arith.constant 320 : i32
      %mul3A_406 = arith.muli %mul3A_404, %mul3A_405 : i32
      %add3A_407 = arith.addi %mul3A_4, %mul3A_406 : i32
      %dma_start3A_408 = arith.constant 0 : i32
      %dma_start3A_409 = arith.constant 0 : i32
      %dma_start3A_410 = arith.constant 0 : i32
      %dma_start3A_411 = arith.constant 0 : i32
      %dma_start3A_412 = tpu.memref_slice %arg6[%dma_start3A_408, %dma_start3A_410, %dma_start3A_411] : memref<2x320x128xf32, #tpu.memory_space<vmem>> -> memref<1x320x128xf32, #tpu.memory_space<vmem>>
      %dma_start3A_413 = tpu.memref_squeeze %dma_start3A_412 : memref<1x320x128xf32, #tpu.memory_space<vmem>> -> memref<320x128xf32, #tpu.memory_space<vmem>>
      %dma_start3A_414 = arith.constant 0 : i32
      %dma_start3A_415 = tpu.memref_slice %arg4[%add3A_407, %dma_start3A_414] : memref<819200x128xf32, #tpu.memory_space<hbm>> -> memref<320x128xf32, #tpu.memory_space<hbm>>
      %dma_start3A_416 = tpu.memref_slice %arg8[%dma_start3A_409] : memref<2x!tpu.dma_semaphore, #tpu.memory_space<semaphore_mem>> -> memref<1x!tpu.dma_semaphore, #tpu.memory_space<semaphore_mem>>
      %dma_start3A_417 = tpu.memref_squeeze %dma_start3A_416 : memref<1x!tpu.dma_semaphore, #tpu.memory_space<semaphore_mem>> -> memref<!tpu.dma_semaphore, #tpu.memory_space<semaphore_mem>>
      %dma_start3A_418 = arith.constant 0 : i32
      %dma_start3A_419 = tpu.memref_slice %arg4[%add3A_407, %dma_start3A_418] : memref<819200x128xf32, #tpu.memory_space<hbm>> -> memref<320x128xf32, #tpu.memory_space<hbm>>
      %dma_start3A_420 = arith.constant 0 : i32
      %dma_start3A_421 = arith.constant 0 : i32
      %dma_start3A_422 = tpu.memref_slice %arg6[%dma_start3A_408, %dma_start3A_420, %dma_start3A_421] : memref<2x320x128xf32, #tpu.memory_space<vmem>> -> memref<1x320x128xf32, #tpu.memory_space<vmem>>
      %dma_start3A_423 = tpu.memref_squeeze %dma_start3A_422 : memref<1x320x128xf32, #tpu.memory_space<vmem>> -> memref<320x128xf32, #tpu.memory_space<vmem>>
      tpu.enqueue_dma source(%dma_start3A_423 : memref<320x128xf32, #tpu.memory_space<vmem>>) target(%dma_start3A_419 : memref<320x128xf32, #tpu.memory_space<hbm>>) target_semaphore(%dma_start3A_417 : memref<!tpu.dma_semaphore, #tpu.memory_space<semaphore_mem>>)
      %dma_wait3A_424 = arith.constant 0 : i32
      %dma_wait3A_425 = arith.constant 1 : i32
      %dma_wait3A_426 = arith.constant 1 : i32
      %dma_wait3A_427 = arith.constant 0 : i32
      %dma_wait3A_428 = arith.constant 0 : i32
      %dma_wait3A_429 = arith.constant 0 : i32
      %dma_wait3A_430 = tpu.memref_slice %arg6[%dma_wait3A_425, %dma_wait3A_428, %dma_wait3A_429] : memref<2x320x128xf32, #tpu.memory_space<vmem>> -> memref<1x80x128xf32, #tpu.memory_space<vmem>>
      %dma_wait3A_431 = tpu.memref_squeeze %dma_wait3A_430 : memref<1x80x128xf32, #tpu.memory_space<vmem>> -> memref<80x128xf32, #tpu.memory_space<vmem>>
      %dma_wait3A_432 = arith.constant 0 : i32
      %dma_wait3A_433 = tpu.memref_slice %arg5[%dma_wait3A_424, %dma_wait3A_432] : memref<320x80xi32, #tpu.memory_space<vmem>> -> memref<1x80xi32, #tpu.memory_space<vmem>>
      %dma_wait3A_434 = tpu.memref_squeeze %dma_wait3A_433 : memref<1x80xi32, #tpu.memory_space<vmem>> -> memref<80xi32, #tpu.memory_space<vmem>>
      %dma_wait3A_435 = arith.constant 0 : i32
      %dma_wait3A_436 = arith.constant 0 : i32
      %dma_wait3A_437 = tpu.memref_slice %arg3[%dma_wait3A_435, %dma_wait3A_436] : memref<100000x128xf32, #tpu.memory_space<hbm>> -> memref<100000x128xf32, #tpu.memory_space<hbm>>
      %dma_wait3A_438 = tpu.memref_slice %arg7[%dma_wait3A_426, %dma_wait3A_427] : memref<2x4x!tpu.dma_semaphore, #tpu.memory_space<semaphore_mem>> -> memref<1x1x!tpu.dma_semaphore, #tpu.memory_space<semaphore_mem>>
      %dma_wait3A_439 = tpu.memref_squeeze %dma_wait3A_438 : memref<1x1x!tpu.dma_semaphore, #tpu.memory_space<semaphore_mem>> -> memref<!tpu.dma_semaphore, #tpu.memory_space<semaphore_mem>>
      tpu.wait_indirect_dma semaphore(%dma_wait3A_439 : memref<!tpu.dma_semaphore, #tpu.memory_space<semaphore_mem>>) src(%dma_wait3A_437 : memref<100000x128xf32, #tpu.memory_space<hbm>>) dst(%dma_wait3A_431 : memref<80x128xf32, #tpu.memory_space<vmem>>)
      %dma_wait3A_440 = arith.constant 0 : i32
      %dma_wait3A_441 = arith.constant 1 : i32
      %dma_wait3A_442 = arith.constant 1 : i32
      %dma_wait3A_443 = arith.constant 1 : i32
      %dma_wait3A_444 = arith.constant 80 : i32
      %dma_wait3A_445 = arith.constant 0 : i32
      %dma_wait3A_446 = tpu.memref_slice %arg6[%dma_wait3A_441, %dma_wait3A_444, %dma_wait3A_445] : memref<2x320x128xf32, #tpu.memory_space<vmem>> -> memref<1x80x128xf32, #tpu.memory_space<vmem>>
      %dma_wait3A_447 = tpu.memref_squeeze %dma_wait3A_446 : memref<1x80x128xf32, #tpu.memory_space<vmem>> -> memref<80x128xf32, #tpu.memory_space<vmem>>
      %dma_wait3A_448 = arith.constant 0 : i32
      %dma_wait3A_449 = tpu.memref_slice %arg5[%dma_wait3A_440, %dma_wait3A_448] : memref<320x80xi32, #tpu.memory_space<vmem>> -> memref<1x80xi32, #tpu.memory_space<vmem>>
      %dma_wait3A_450 = tpu.memref_squeeze %dma_wait3A_449 : memref<1x80xi32, #tpu.memory_space<vmem>> -> memref<80xi32, #tpu.memory_space<vmem>>
      %dma_wait3A_451 = arith.constant 0 : i32
      %dma_wait3A_452 = arith.constant 0 : i32
      %dma_wait3A_453 = tpu.memref_slice %arg3[%dma_wait3A_451, %dma_wait3A_452] : memref<100000x128xf32, #tpu.memory_space<hbm>> -> memref<100000x128xf32, #tpu.memory_space<hbm>>
      %dma_wait3A_454 = tpu.memref_slice %arg7[%dma_wait3A_442, %dma_wait3A_443] : memref<2x4x!tpu.dma_semaphore, #tpu.memory_space<semaphore_mem>> -> memref<1x1x!tpu.dma_semaphore, #tpu.memory_space<semaphore_mem>>
      %dma_wait3A_455 = tpu.memref_squeeze %dma_wait3A_454 : memref<1x1x!tpu.dma_semaphore, #tpu.memory_space<semaphore_mem>> -> memref<!tpu.dma_semaphore, #tpu.memory_space<semaphore_mem>>
      tpu.wait_indirect_dma semaphore(%dma_wait3A_455 : memref<!tpu.dma_semaphore, #tpu.memory_space<semaphore_mem>>) src(%dma_wait3A_453 : memref<100000x128xf32, #tpu.memory_space<hbm>>) dst(%dma_wait3A_447 : memref<80x128xf32, #tpu.memory_space<vmem>>)
      %dma_wait3A_456 = arith.constant 0 : i32
      %dma_wait3A_457 = arith.constant 1 : i32
      %dma_wait3A_458 = arith.constant 1 : i32
      %dma_wait3A_459 = arith.constant 2 : i32
      %dma_wait3A_460 = arith.constant 160 : i32
      %dma_wait3A_461 = arith.constant 0 : i32
      %dma_wait3A_462 = tpu.memref_slice %arg6[%dma_wait3A_457, %dma_wait3A_460, %dma_wait3A_461] : memref<2x320x128xf32, #tpu.memory_space<vmem>> -> memref<1x80x128xf32, #tpu.memory_space<vmem>>
      %dma_wait3A_463 = tpu.memref_squeeze %dma_wait3A_462 : memref<1x80x128xf32, #tpu.memory_space<vmem>> -> memref<80x128xf32, #tpu.memory_space<vmem>>
      %dma_wait3A_464 = arith.constant 0 : i32
      %dma_wait3A_465 = tpu.memref_slice %arg5[%dma_wait3A_456, %dma_wait3A_464] : memref<320x80xi32, #tpu.memory_space<vmem>> -> memref<1x80xi32, #tpu.memory_space<vmem>>
      %dma_wait3A_466 = tpu.memref_squeeze %dma_wait3A_465 : memref<1x80xi32, #tpu.memory_space<vmem>> -> memref<80xi32, #tpu.memory_space<vmem>>
      %dma_wait3A_467 = arith.constant 0 : i32
      %dma_wait3A_468 = arith.constant 0 : i32
      %dma_wait3A_469 = tpu.memref_slice %arg3[%dma_wait3A_467, %dma_wait3A_468] : memref<100000x128xf32, #tpu.memory_space<hbm>> -> memref<100000x128xf32, #tpu.memory_space<hbm>>
      %dma_wait3A_470 = tpu.memref_slice %arg7[%dma_wait3A_458, %dma_wait3A_459] : memref<2x4x!tpu.dma_semaphore, #tpu.memory_space<semaphore_mem>> -> memref<1x1x!tpu.dma_semaphore, #tpu.memory_space<semaphore_mem>>
      %dma_wait3A_471 = tpu.memref_squeeze %dma_wait3A_470 : memref<1x1x!tpu.dma_semaphore, #tpu.memory_space<semaphore_mem>> -> memref<!tpu.dma_semaphore, #tpu.memory_space<semaphore_mem>>
      tpu.wait_indirect_dma semaphore(%dma_wait3A_471 : memref<!tpu.dma_semaphore, #tpu.memory_space<semaphore_mem>>) src(%dma_wait3A_469 : memref<100000x128xf32, #tpu.memory_space<hbm>>) dst(%dma_wait3A_463 : memref<80x128xf32, #tpu.memory_space<vmem>>)
      %dma_wait3A_472 = arith.constant 0 : i32
      %dma_wait3A_473 = arith.constant 1 : i32
      %dma_wait3A_474 = arith.constant 1 : i32
      %dma_wait3A_475 = arith.constant 3 : i32
      %dma_wait3A_476 = arith.constant 240 : i32
      %dma_wait3A_477 = arith.constant 0 : i32
      %dma_wait3A_478 = tpu.memref_slice %arg6[%dma_wait3A_473, %dma_wait3A_476, %dma_wait3A_477] : memref<2x320x128xf32, #tpu.memory_space<vmem>> -> memref<1x80x128xf32, #tpu.memory_space<vmem>>
      %dma_wait3A_479 = tpu.memref_squeeze %dma_wait3A_478 : memref<1x80x128xf32, #tpu.memory_space<vmem>> -> memref<80x128xf32, #tpu.memory_space<vmem>>
      %dma_wait3A_480 = arith.constant 0 : i32
      %dma_wait3A_481 = tpu.memref_slice %arg5[%dma_wait3A_472, %dma_wait3A_480] : memref<320x80xi32, #tpu.memory_space<vmem>> -> memref<1x80xi32, #tpu.memory_space<vmem>>
      %dma_wait3A_482 = tpu.memref_squeeze %dma_wait3A_481 : memref<1x80xi32, #tpu.memory_space<vmem>> -> memref<80xi32, #tpu.memory_space<vmem>>
      %dma_wait3A_483 = arith.constant 0 : i32
      %dma_wait3A_484 = arith.constant 0 : i32
      %dma_wait3A_485 = tpu.memref_slice %arg3[%dma_wait3A_483, %dma_wait3A_484] : memref<100000x128xf32, #tpu.memory_space<hbm>> -> memref<100000x128xf32, #tpu.memory_space<hbm>>
      %dma_wait3A_486 = tpu.memref_slice %arg7[%dma_wait3A_474, %dma_wait3A_475] : memref<2x4x!tpu.dma_semaphore, #tpu.memory_space<semaphore_mem>> -> memref<1x1x!tpu.dma_semaphore, #tpu.memory_space<semaphore_mem>>
      %dma_wait3A_487 = tpu.memref_squeeze %dma_wait3A_486 : memref<1x1x!tpu.dma_semaphore, #tpu.memory_space<semaphore_mem>> -> memref<!tpu.dma_semaphore, #tpu.memory_space<semaphore_mem>>
      tpu.wait_indirect_dma semaphore(%dma_wait3A_487 : memref<!tpu.dma_semaphore, #tpu.memory_space<semaphore_mem>>) src(%dma_wait3A_485 : memref<100000x128xf32, #tpu.memory_space<hbm>>) dst(%dma_wait3A_479 : memref<80x128xf32, #tpu.memory_space<vmem>>)
      %mul3A_488 = arith.constant 2 : i32
      %mul3A_489 = arith.muli %mul3A_488, %scan3A_336 : i32
      %add3A_490 = arith.constant 1 : i32
      %add3A_491 = arith.addi %mul3A_489, %add3A_490 : i32
      %mul3A_492 = arith.constant 320 : i32
      %mul3A_493 = arith.muli %add3A_491, %mul3A_492 : i32
      %add3A_494 = arith.addi %mul3A_4, %mul3A_493 : i32
      %dma_start3A_495 = arith.constant 1 : i32
      %dma_start3A_496 = arith.constant 1 : i32
      %dma_start3A_497 = arith.constant 0 : i32
      %dma_start3A_498 = arith.constant 0 : i32
      %dma_start3A_499 = tpu.memref_slice %arg6[%dma_start3A_495, %dma_start3A_497, %dma_start3A_498] : memref<2x320x128xf32, #tpu.memory_space<vmem>> -> memref<1x320x128xf32, #tpu.memory_space<vmem>>
      %dma_start3A_500 = tpu.memref_squeeze %dma_start3A_499 : memref<1x320x128xf32, #tpu.memory_space<vmem>> -> memref<320x128xf32, #tpu.memory_space<vmem>>
      %dma_start3A_501 = arith.constant 0 : i32
      %dma_start3A_502 = tpu.memref_slice %arg4[%add3A_494, %dma_start3A_501] : memref<819200x128xf32, #tpu.memory_space<hbm>> -> memref<320x128xf32, #tpu.memory_space<hbm>>
      %dma_start3A_503 = tpu.memref_slice %arg8[%dma_start3A_496] : memref<2x!tpu.dma_semaphore, #tpu.memory_space<semaphore_mem>> -> memref<1x!tpu.dma_semaphore, #tpu.memory_space<semaphore_mem>>
      %dma_start3A_504 = tpu.memref_squeeze %dma_start3A_503 : memref<1x!tpu.dma_semaphore, #tpu.memory_space<semaphore_mem>> -> memref<!tpu.dma_semaphore, #tpu.memory_space<semaphore_mem>>
      %dma_start3A_505 = arith.constant 0 : i32
      %dma_start3A_506 = tpu.memref_slice %arg4[%add3A_494, %dma_start3A_505] : memref<819200x128xf32, #tpu.memory_space<hbm>> -> memref<320x128xf32, #tpu.memory_space<hbm>>
      %dma_start3A_507 = arith.constant 0 : i32
      %dma_start3A_508 = arith.constant 0 : i32
      %dma_start3A_509 = tpu.memref_slice %arg6[%dma_start3A_495, %dma_start3A_507, %dma_start3A_508] : memref<2x320x128xf32, #tpu.memory_space<vmem>> -> memref<1x320x128xf32, #tpu.memory_space<vmem>>
      %dma_start3A_510 = tpu.memref_squeeze %dma_start3A_509 : memref<1x320x128xf32, #tpu.memory_space<vmem>> -> memref<320x128xf32, #tpu.memory_space<vmem>>
      tpu.enqueue_dma source(%dma_start3A_510 : memref<320x128xf32, #tpu.memory_space<vmem>>) target(%dma_start3A_506 : memref<320x128xf32, #tpu.memory_space<hbm>>) target_semaphore(%dma_start3A_504 : memref<!tpu.dma_semaphore, #tpu.memory_space<semaphore_mem>>)
      %dma_wait3A_511 = arith.constant 0 : i32
      %dma_wait3A_512 = arith.constant 0 : i32
      %dma_wait3A_513 = arith.constant 0 : i32
      %dma_wait3A_514 = arith.constant 0 : i32
      %dma_wait3A_515 = tpu.memref_slice %arg6[%dma_wait3A_511, %dma_wait3A_513, %dma_wait3A_514] : memref<2x320x128xf32, #tpu.memory_space<vmem>> -> memref<1x320x128xf32, #tpu.memory_space<vmem>>
      %dma_wait3A_516 = tpu.memref_squeeze %dma_wait3A_515 : memref<1x320x128xf32, #tpu.memory_space<vmem>> -> memref<320x128xf32, #tpu.memory_space<vmem>>
      %dma_wait3A_517 = arith.constant 0 : i32
      %dma_wait3A_518 = arith.constant 0 : i32
      %dma_wait3A_519 = tpu.memref_slice %arg4[%dma_wait3A_517, %dma_wait3A_518] : memref<819200x128xf32, #tpu.memory_space<hbm>> -> memref<320x128xf32, #tpu.memory_space<hbm>>
      %dma_wait3A_520 = tpu.memref_slice %arg8[%dma_wait3A_512] : memref<2x!tpu.dma_semaphore, #tpu.memory_space<semaphore_mem>> -> memref<1x!tpu.dma_semaphore, #tpu.memory_space<semaphore_mem>>
      %dma_wait3A_521 = tpu.memref_squeeze %dma_wait3A_520 : memref<1x!tpu.dma_semaphore, #tpu.memory_space<semaphore_mem>> -> memref<!tpu.dma_semaphore, #tpu.memory_space<semaphore_mem>>
      %dma_wait3A_522 = arith.constant 0 : i32
      %dma_wait3A_523 = arith.constant 0 : i32
      %dma_wait3A_524 = tpu.memref_slice %arg4[%dma_wait3A_522, %dma_wait3A_523] : memref<819200x128xf32, #tpu.memory_space<hbm>> -> memref<320x128xf32, #tpu.memory_space<hbm>>
      %dma_wait3A_525 = arith.constant 0 : i32
      %dma_wait3A_526 = arith.constant 0 : i32
      %dma_wait3A_527 = tpu.memref_slice %arg6[%dma_wait3A_511, %dma_wait3A_525, %dma_wait3A_526] : memref<2x320x128xf32, #tpu.memory_space<vmem>> -> memref<1x320x128xf32, #tpu.memory_space<vmem>>
      %dma_wait3A_528 = tpu.memref_squeeze %dma_wait3A_527 : memref<1x320x128xf32, #tpu.memory_space<vmem>> -> memref<320x128xf32, #tpu.memory_space<vmem>>
      tpu.wait_dma2 semaphore(%dma_wait3A_521 : memref<!tpu.dma_semaphore, #tpu.memory_space<semaphore_mem>>) src(%dma_wait3A_528 : memref<320x128xf32, #tpu.memory_space<vmem>>) dst(%dma_wait3A_524 : memref<320x128xf32, #tpu.memory_space<hbm>>)
      %add3A_529 = arith.constant 8 : i32
      %add3A_530 = arith.addi %mul3A_338, %add3A_529 : i32
      %add3A_531 = arith.constant 0 : i32
      %add3A_532 = arith.addi %add3A_530, %add3A_531 : i32
      %dma_start3A_533 = arith.constant 0 : i32
      %dma_start3A_534 = arith.constant 0 : i32
      %dma_start3A_535 = arith.constant 0 : i32
      %dma_start3A_536 = arith.constant 0 : i32
      %dma_start3A_537 = arith.constant 0 : i32
      %dma_start3A_538 = tpu.memref_slice %arg6[%dma_start3A_533, %dma_start3A_536, %dma_start3A_537] : memref<2x320x128xf32, #tpu.memory_space<vmem>> -> memref<1x80x128xf32, #tpu.memory_space<vmem>>
      %dma_start3A_539 = tpu.memref_squeeze %dma_start3A_538 : memref<1x80x128xf32, #tpu.memory_space<vmem>> -> memref<80x128xf32, #tpu.memory_space<vmem>>
      %dma_start3A_540 = arith.constant 0 : i32
      %dma_start3A_541 = tpu.memref_slice %arg5[%add3A_532, %dma_start3A_540] : memref<320x80xi32, #tpu.memory_space<vmem>> -> memref<1x80xi32, #tpu.memory_space<vmem>>
      %dma_start3A_542 = tpu.memref_squeeze %dma_start3A_541 : memref<1x80xi32, #tpu.memory_space<vmem>> -> memref<80xi32, #tpu.memory_space<vmem>>
      %dma_start3A_543 = arith.constant 0 : i32
      %dma_start3A_544 = arith.constant 0 : i32
      %dma_start3A_545 = tpu.memref_slice %arg3[%dma_start3A_543, %dma_start3A_544] : memref<100000x128xf32, #tpu.memory_space<hbm>> -> memref<100000x128xf32, #tpu.memory_space<hbm>>
      %dma_start3A_546 = tpu.memref_slice %arg7[%dma_start3A_534, %dma_start3A_535] : memref<2x4x!tpu.dma_semaphore, #tpu.memory_space<semaphore_mem>> -> memref<1x1x!tpu.dma_semaphore, #tpu.memory_space<semaphore_mem>>
      %dma_start3A_547 = tpu.memref_squeeze %dma_start3A_546 : memref<1x1x!tpu.dma_semaphore, #tpu.memory_space<semaphore_mem>> -> memref<!tpu.dma_semaphore, #tpu.memory_space<semaphore_mem>>
      tpu.enqueue_indirect_dma source(%dma_start3A_545 : memref<100000x128xf32, #tpu.memory_space<hbm>>) target(%dma_start3A_539 : memref<80x128xf32, #tpu.memory_space<vmem>>) offsets(%dma_start3A_542 : memref<80xi32, #tpu.memory_space<vmem>>) semaphore(%dma_start3A_547 : memref<!tpu.dma_semaphore, #tpu.memory_space<semaphore_mem>>)
      %add3A_548 = arith.constant 8 : i32
      %add3A_549 = arith.addi %mul3A_338, %add3A_548 : i32
      %add3A_550 = arith.constant 1 : i32
      %add3A_551 = arith.addi %add3A_549, %add3A_550 : i32
      %dma_start3A_552 = arith.constant 0 : i32
      %dma_start3A_553 = arith.constant 0 : i32
      %dma_start3A_554 = arith.constant 1 : i32
      %dma_start3A_555 = arith.constant 80 : i32
      %dma_start3A_556 = arith.constant 0 : i32
      %dma_start3A_557 = tpu.memref_slice %arg6[%dma_start3A_552, %dma_start3A_555, %dma_start3A_556] : memref<2x320x128xf32, #tpu.memory_space<vmem>> -> memref<1x80x128xf32, #tpu.memory_space<vmem>>
      %dma_start3A_558 = tpu.memref_squeeze %dma_start3A_557 : memref<1x80x128xf32, #tpu.memory_space<vmem>> -> memref<80x128xf32, #tpu.memory_space<vmem>>
      %dma_start3A_559 = arith.constant 0 : i32
      %dma_start3A_560 = tpu.memref_slice %arg5[%add3A_551, %dma_start3A_559] : memref<320x80xi32, #tpu.memory_space<vmem>> -> memref<1x80xi32, #tpu.memory_space<vmem>>
      %dma_start3A_561 = tpu.memref_squeeze %dma_start3A_560 : memref<1x80xi32, #tpu.memory_space<vmem>> -> memref<80xi32, #tpu.memory_space<vmem>>
      %dma_start3A_562 = arith.constant 0 : i32
      %dma_start3A_563 = arith.constant 0 : i32
      %dma_start3A_564 = tpu.memref_slice %arg3[%dma_start3A_562, %dma_start3A_563] : memref<100000x128xf32, #tpu.memory_space<hbm>> -> memref<100000x128xf32, #tpu.memory_space<hbm>>
      %dma_start3A_565 = tpu.memref_slice %arg7[%dma_start3A_553, %dma_start3A_554] : memref<2x4x!tpu.dma_semaphore, #tpu.memory_space<semaphore_mem>> -> memref<1x1x!tpu.dma_semaphore, #tpu.memory_space<semaphore_mem>>
      %dma_start3A_566 = tpu.memref_squeeze %dma_start3A_565 : memref<1x1x!tpu.dma_semaphore, #tpu.memory_space<semaphore_mem>> -> memref<!tpu.dma_semaphore, #tpu.memory_space<semaphore_mem>>
      tpu.enqueue_indirect_dma source(%dma_start3A_564 : memref<100000x128xf32, #tpu.memory_space<hbm>>) target(%dma_start3A_558 : memref<80x128xf32, #tpu.memory_space<vmem>>) offsets(%dma_start3A_561 : memref<80xi32, #tpu.memory_space<vmem>>) semaphore(%dma_start3A_566 : memref<!tpu.dma_semaphore, #tpu.memory_space<semaphore_mem>>)
      %add3A_567 = arith.constant 8 : i32
      %add3A_568 = arith.addi %mul3A_338, %add3A_567 : i32
      %add3A_569 = arith.constant 2 : i32
      %add3A_570 = arith.addi %add3A_568, %add3A_569 : i32
      %dma_start3A_571 = arith.constant 0 : i32
      %dma_start3A_572 = arith.constant 0 : i32
      %dma_start3A_573 = arith.constant 2 : i32
      %dma_start3A_574 = arith.constant 160 : i32
      %dma_start3A_575 = arith.constant 0 : i32
      %dma_start3A_576 = tpu.memref_slice %arg6[%dma_start3A_571, %dma_start3A_574, %dma_start3A_575] : memref<2x320x128xf32, #tpu.memory_space<vmem>> -> memref<1x80x128xf32, #tpu.memory_space<vmem>>
      %dma_start3A_577 = tpu.memref_squeeze %dma_start3A_576 : memref<1x80x128xf32, #tpu.memory_space<vmem>> -> memref<80x128xf32, #tpu.memory_space<vmem>>
      %dma_start3A_578 = arith.constant 0 : i32
      %dma_start3A_579 = tpu.memref_slice %arg5[%add3A_570, %dma_start3A_578] : memref<320x80xi32, #tpu.memory_space<vmem>> -> memref<1x80xi32, #tpu.memory_space<vmem>>
      %dma_start3A_580 = tpu.memref_squeeze %dma_start3A_579 : memref<1x80xi32, #tpu.memory_space<vmem>> -> memref<80xi32, #tpu.memory_space<vmem>>
      %dma_start3A_581 = arith.constant 0 : i32
      %dma_start3A_582 = arith.constant 0 : i32
      %dma_start3A_583 = tpu.memref_slice %arg3[%dma_start3A_581, %dma_start3A_582] : memref<100000x128xf32, #tpu.memory_space<hbm>> -> memref<100000x128xf32, #tpu.memory_space<hbm>>
      %dma_start3A_584 = tpu.memref_slice %arg7[%dma_start3A_572, %dma_start3A_573] : memref<2x4x!tpu.dma_semaphore, #tpu.memory_space<semaphore_mem>> -> memref<1x1x!tpu.dma_semaphore, #tpu.memory_space<semaphore_mem>>
      %dma_start3A_585 = tpu.memref_squeeze %dma_start3A_584 : memref<1x1x!tpu.dma_semaphore, #tpu.memory_space<semaphore_mem>> -> memref<!tpu.dma_semaphore, #tpu.memory_space<semaphore_mem>>
      tpu.enqueue_indirect_dma source(%dma_start3A_583 : memref<100000x128xf32, #tpu.memory_space<hbm>>) target(%dma_start3A_577 : memref<80x128xf32, #tpu.memory_space<vmem>>) offsets(%dma_start3A_580 : memref<80xi32, #tpu.memory_space<vmem>>) semaphore(%dma_start3A_585 : memref<!tpu.dma_semaphore, #tpu.memory_space<semaphore_mem>>)
      %add3A_586 = arith.constant 8 : i32
      %add3A_587 = arith.addi %mul3A_338, %add3A_586 : i32
      %add3A_588 = arith.constant 3 : i32
      %add3A_589 = arith.addi %add3A_587, %add3A_588 : i32
      %dma_start3A_590 = arith.constant 0 : i32
      %dma_start3A_591 = arith.constant 0 : i32
      %dma_start3A_592 = arith.constant 3 : i32
      %dma_start3A_593 = arith.constant 240 : i32
      %dma_start3A_594 = arith.constant 0 : i32
      %dma_start3A_595 = tpu.memref_slice %arg6[%dma_start3A_590, %dma_start3A_593, %dma_start3A_594] : memref<2x320x128xf32, #tpu.memory_space<vmem>> -> memref<1x80x128xf32, #tpu.memory_space<vmem>>
      %dma_start3A_596 = tpu.memref_squeeze %dma_start3A_595 : memref<1x80x128xf32, #tpu.memory_space<vmem>> -> memref<80x128xf32, #tpu.memory_space<vmem>>
      %dma_start3A_597 = arith.constant 0 : i32
      %dma_start3A_598 = tpu.memref_slice %arg5[%add3A_589, %dma_start3A_597] : memref<320x80xi32, #tpu.memory_space<vmem>> -> memref<1x80xi32, #tpu.memory_space<vmem>>
      %dma_start3A_599 = tpu.memref_squeeze %dma_start3A_598 : memref<1x80xi32, #tpu.memory_space<vmem>> -> memref<80xi32, #tpu.memory_space<vmem>>
      %dma_start3A_600 = arith.constant 0 : i32
      %dma_start3A_601 = arith.constant 0 : i32
      %dma_start3A_602 = tpu.memref_slice %arg3[%dma_start3A_600, %dma_start3A_601] : memref<100000x128xf32, #tpu.memory_space<hbm>> -> memref<100000x128xf32, #tpu.memory_space<hbm>>
      %dma_start3A_603 = tpu.memref_slice %arg7[%dma_start3A_591, %dma_start3A_592] : memref<2x4x!tpu.dma_semaphore, #tpu.memory_space<semaphore_mem>> -> memref<1x1x!tpu.dma_semaphore, #tpu.memory_space<semaphore_mem>>
      %dma_start3A_604 = tpu.memref_squeeze %dma_start3A_603 : memref<1x1x!tpu.dma_semaphore, #tpu.memory_space<semaphore_mem>> -> memref<!tpu.dma_semaphore, #tpu.memory_space<semaphore_mem>>
      tpu.enqueue_indirect_dma source(%dma_start3A_602 : memref<100000x128xf32, #tpu.memory_space<hbm>>) target(%dma_start3A_596 : memref<80x128xf32, #tpu.memory_space<vmem>>) offsets(%dma_start3A_599 : memref<80xi32, #tpu.memory_space<vmem>>) semaphore(%dma_start3A_604 : memref<!tpu.dma_semaphore, #tpu.memory_space<semaphore_mem>>)
      %dma_wait3A_605 = arith.constant 1 : i32
      %dma_wait3A_606 = arith.constant 1 : i32
      %dma_wait3A_607 = arith.constant 0 : i32
      %dma_wait3A_608 = arith.constant 0 : i32
      %dma_wait3A_609 = tpu.memref_slice %arg6[%dma_wait3A_605, %dma_wait3A_607, %dma_wait3A_608] : memref<2x320x128xf32, #tpu.memory_space<vmem>> -> memref<1x320x128xf32, #tpu.memory_space<vmem>>
      %dma_wait3A_610 = tpu.memref_squeeze %dma_wait3A_609 : memref<1x320x128xf32, #tpu.memory_space<vmem>> -> memref<320x128xf32, #tpu.memory_space<vmem>>
      %dma_wait3A_611 = arith.constant 0 : i32
      %dma_wait3A_612 = arith.constant 0 : i32
      %dma_wait3A_613 = tpu.memref_slice %arg4[%dma_wait3A_611, %dma_wait3A_612] : memref<819200x128xf32, #tpu.memory_space<hbm>> -> memref<320x128xf32, #tpu.memory_space<hbm>>
      %dma_wait3A_614 = tpu.memref_slice %arg8[%dma_wait3A_606] : memref<2x!tpu.dma_semaphore, #tpu.memory_space<semaphore_mem>> -> memref<1x!tpu.dma_semaphore, #tpu.memory_space<semaphore_mem>>
      %dma_wait3A_615 = tpu.memref_squeeze %dma_wait3A_614 : memref<1x!tpu.dma_semaphore, #tpu.memory_space<semaphore_mem>> -> memref<!tpu.dma_semaphore, #tpu.memory_space<semaphore_mem>>
      %dma_wait3A_616 = arith.constant 0 : i32
      %dma_wait3A_617 = arith.constant 0 : i32
      %dma_wait3A_618 = tpu.memref_slice %arg4[%dma_wait3A_616, %dma_wait3A_617] : memref<819200x128xf32, #tpu.memory_space<hbm>> -> memref<320x128xf32, #tpu.memory_space<hbm>>
      %dma_wait3A_619 = arith.constant 0 : i32
      %dma_wait3A_620 = arith.constant 0 : i32
      %dma_wait3A_621 = tpu.memref_slice %arg6[%dma_wait3A_605, %dma_wait3A_619, %dma_wait3A_620] : memref<2x320x128xf32, #tpu.memory_space<vmem>> -> memref<1x320x128xf32, #tpu.memory_space<vmem>>
      %dma_wait3A_622 = tpu.memref_squeeze %dma_wait3A_621 : memref<1x320x128xf32, #tpu.memory_space<vmem>> -> memref<320x128xf32, #tpu.memory_space<vmem>>
      tpu.wait_dma2 semaphore(%dma_wait3A_615 : memref<!tpu.dma_semaphore, #tpu.memory_space<semaphore_mem>>) src(%dma_wait3A_622 : memref<320x128xf32, #tpu.memory_space<vmem>>) dst(%dma_wait3A_618 : memref<320x128xf32, #tpu.memory_space<hbm>>)
      %add3A_623 = arith.constant 12 : i32
      %add3A_624 = arith.addi %mul3A_338, %add3A_623 : i32
      %add3A_625 = arith.constant 0 : i32
      %add3A_626 = arith.addi %add3A_624, %add3A_625 : i32
      %dma_start3A_627 = arith.constant 1 : i32
      %dma_start3A_628 = arith.constant 1 : i32
      %dma_start3A_629 = arith.constant 0 : i32
      %dma_start3A_630 = arith.constant 0 : i32
      %dma_start3A_631 = arith.constant 0 : i32
      %dma_start3A_632 = tpu.memref_slice %arg6[%dma_start3A_627, %dma_start3A_630, %dma_start3A_631] : memref<2x320x128xf32, #tpu.memory_space<vmem>> -> memref<1x80x128xf32, #tpu.memory_space<vmem>>
      %dma_start3A_633 = tpu.memref_squeeze %dma_start3A_632 : memref<1x80x128xf32, #tpu.memory_space<vmem>> -> memref<80x128xf32, #tpu.memory_space<vmem>>
      %dma_start3A_634 = arith.constant 0 : i32
      %dma_start3A_635 = tpu.memref_slice %arg5[%add3A_626, %dma_start3A_634] : memref<320x80xi32, #tpu.memory_space<vmem>> -> memref<1x80xi32, #tpu.memory_space<vmem>>
      %dma_start3A_636 = tpu.memref_squeeze %dma_start3A_635 : memref<1x80xi32, #tpu.memory_space<vmem>> -> memref<80xi32, #tpu.memory_space<vmem>>
      %dma_start3A_637 = arith.constant 0 : i32
      %dma_start3A_638 = arith.constant 0 : i32
      %dma_start3A_639 = tpu.memref_slice %arg3[%dma_start3A_637, %dma_start3A_638] : memref<100000x128xf32, #tpu.memory_space<hbm>> -> memref<100000x128xf32, #tpu.memory_space<hbm>>
      %dma_start3A_640 = tpu.memref_slice %arg7[%dma_start3A_628, %dma_start3A_629] : memref<2x4x!tpu.dma_semaphore, #tpu.memory_space<semaphore_mem>> -> memref<1x1x!tpu.dma_semaphore, #tpu.memory_space<semaphore_mem>>
      %dma_start3A_641 = tpu.memref_squeeze %dma_start3A_640 : memref<1x1x!tpu.dma_semaphore, #tpu.memory_space<semaphore_mem>> -> memref<!tpu.dma_semaphore, #tpu.memory_space<semaphore_mem>>
      tpu.enqueue_indirect_dma source(%dma_start3A_639 : memref<100000x128xf32, #tpu.memory_space<hbm>>) target(%dma_start3A_633 : memref<80x128xf32, #tpu.memory_space<vmem>>) offsets(%dma_start3A_636 : memref<80xi32, #tpu.memory_space<vmem>>) semaphore(%dma_start3A_641 : memref<!tpu.dma_semaphore, #tpu.memory_space<semaphore_mem>>)
      %add3A_642 = arith.constant 12 : i32
      %add3A_643 = arith.addi %mul3A_338, %add3A_642 : i32
      %add3A_644 = arith.constant 1 : i32
      %add3A_645 = arith.addi %add3A_643, %add3A_644 : i32
      %dma_start3A_646 = arith.constant 1 : i32
      %dma_start3A_647 = arith.constant 1 : i32
      %dma_start3A_648 = arith.constant 1 : i32
      %dma_start3A_649 = arith.constant 80 : i32
      %dma_start3A_650 = arith.constant 0 : i32
      %dma_start3A_651 = tpu.memref_slice %arg6[%dma_start3A_646, %dma_start3A_649, %dma_start3A_650] : memref<2x320x128xf32, #tpu.memory_space<vmem>> -> memref<1x80x128xf32, #tpu.memory_space<vmem>>
      %dma_start3A_652 = tpu.memref_squeeze %dma_start3A_651 : memref<1x80x128xf32, #tpu.memory_space<vmem>> -> memref<80x128xf32, #tpu.memory_space<vmem>>
      %dma_start3A_653 = arith.constant 0 : i32
      %dma_start3A_654 = tpu.memref_slice %arg5[%add3A_645, %dma_start3A_653] : memref<320x80xi32, #tpu.memory_space<vmem>> -> memref<1x80xi32, #tpu.memory_space<vmem>>
      %dma_start3A_655 = tpu.memref_squeeze %dma_start3A_654 : memref<1x80xi32, #tpu.memory_space<vmem>> -> memref<80xi32, #tpu.memory_space<vmem>>
      %dma_start3A_656 = arith.constant 0 : i32
      %dma_start3A_657 = arith.constant 0 : i32
      %dma_start3A_658 = tpu.memref_slice %arg3[%dma_start3A_656, %dma_start3A_657] : memref<100000x128xf32, #tpu.memory_space<hbm>> -> memref<100000x128xf32, #tpu.memory_space<hbm>>
      %dma_start3A_659 = tpu.memref_slice %arg7[%dma_start3A_647, %dma_start3A_648] : memref<2x4x!tpu.dma_semaphore, #tpu.memory_space<semaphore_mem>> -> memref<1x1x!tpu.dma_semaphore, #tpu.memory_space<semaphore_mem>>
      %dma_start3A_660 = tpu.memref_squeeze %dma_start3A_659 : memref<1x1x!tpu.dma_semaphore, #tpu.memory_space<semaphore_mem>> -> memref<!tpu.dma_semaphore, #tpu.memory_space<semaphore_mem>>
      tpu.enqueue_indirect_dma source(%dma_start3A_658 : memref<100000x128xf32, #tpu.memory_space<hbm>>) target(%dma_start3A_652 : memref<80x128xf32, #tpu.memory_space<vmem>>) offsets(%dma_start3A_655 : memref<80xi32, #tpu.memory_space<vmem>>) semaphore(%dma_start3A_660 : memref<!tpu.dma_semaphore, #tpu.memory_space<semaphore_mem>>)
      %add3A_661 = arith.constant 12 : i32
      %add3A_662 = arith.addi %mul3A_338, %add3A_661 : i32
      %add3A_663 = arith.constant 2 : i32
      %add3A_664 = arith.addi %add3A_662, %add3A_663 : i32
      %dma_start3A_665 = arith.constant 1 : i32
      %dma_start3A_666 = arith.constant 1 : i32
      %dma_start3A_667 = arith.constant 2 : i32
      %dma_start3A_668 = arith.constant 160 : i32
      %dma_start3A_669 = arith.constant 0 : i32
      %dma_start3A_670 = tpu.memref_slice %arg6[%dma_start3A_665, %dma_start3A_668, %dma_start3A_669] : memref<2x320x128xf32, #tpu.memory_space<vmem>> -> memref<1x80x128xf32, #tpu.memory_space<vmem>>
      %dma_start3A_671 = tpu.memref_squeeze %dma_start3A_670 : memref<1x80x128xf32, #tpu.memory_space<vmem>> -> memref<80x128xf32, #tpu.memory_space<vmem>>
      %dma_start3A_672 = arith.constant 0 : i32
      %dma_start3A_673 = tpu.memref_slice %arg5[%add3A_664, %dma_start3A_672] : memref<320x80xi32, #tpu.memory_space<vmem>> -> memref<1x80xi32, #tpu.memory_space<vmem>>
      %dma_start3A_674 = tpu.memref_squeeze %dma_start3A_673 : memref<1x80xi32, #tpu.memory_space<vmem>> -> memref<80xi32, #tpu.memory_space<vmem>>
      %dma_start3A_675 = arith.constant 0 : i32
      %dma_start3A_676 = arith.constant 0 : i32
      %dma_start3A_677 = tpu.memref_slice %arg3[%dma_start3A_675, %dma_start3A_676] : memref<100000x128xf32, #tpu.memory_space<hbm>> -> memref<100000x128xf32, #tpu.memory_space<hbm>>
      %dma_start3A_678 = tpu.memref_slice %arg7[%dma_start3A_666, %dma_start3A_667] : memref<2x4x!tpu.dma_semaphore, #tpu.memory_space<semaphore_mem>> -> memref<1x1x!tpu.dma_semaphore, #tpu.memory_space<semaphore_mem>>
      %dma_start3A_679 = tpu.memref_squeeze %dma_start3A_678 : memref<1x1x!tpu.dma_semaphore, #tpu.memory_space<semaphore_mem>> -> memref<!tpu.dma_semaphore, #tpu.memory_space<semaphore_mem>>
      tpu.enqueue_indirect_dma source(%dma_start3A_677 : memref<100000x128xf32, #tpu.memory_space<hbm>>) target(%dma_start3A_671 : memref<80x128xf32, #tpu.memory_space<vmem>>) offsets(%dma_start3A_674 : memref<80xi32, #tpu.memory_space<vmem>>) semaphore(%dma_start3A_679 : memref<!tpu.dma_semaphore, #tpu.memory_space<semaphore_mem>>)
      %add3A_680 = arith.constant 12 : i32
      %add3A_681 = arith.addi %mul3A_338, %add3A_680 : i32
      %add3A_682 = arith.constant 3 : i32
      %add3A_683 = arith.addi %add3A_681, %add3A_682 : i32
      %dma_start3A_684 = arith.constant 1 : i32
      %dma_start3A_685 = arith.constant 1 : i32
      %dma_start3A_686 = arith.constant 3 : i32
      %dma_start3A_687 = arith.constant 240 : i32
      %dma_start3A_688 = arith.constant 0 : i32
      %dma_start3A_689 = tpu.memref_slice %arg6[%dma_start3A_684, %dma_start3A_687, %dma_start3A_688] : memref<2x320x128xf32, #tpu.memory_space<vmem>> -> memref<1x80x128xf32, #tpu.memory_space<vmem>>
      %dma_start3A_690 = tpu.memref_squeeze %dma_start3A_689 : memref<1x80x128xf32, #tpu.memory_space<vmem>> -> memref<80x128xf32, #tpu.memory_space<vmem>>
      %dma_start3A_691 = arith.constant 0 : i32
      %dma_start3A_692 = tpu.memref_slice %arg5[%add3A_683, %dma_start3A_691] : memref<320x80xi32, #tpu.memory_space<vmem>> -> memref<1x80xi32, #tpu.memory_space<vmem>>
      %dma_start3A_693 = tpu.memref_squeeze %dma_start3A_692 : memref<1x80xi32, #tpu.memory_space<vmem>> -> memref<80xi32, #tpu.memory_space<vmem>>
      %dma_start3A_694 = arith.constant 0 : i32
      %dma_start3A_695 = arith.constant 0 : i32
      %dma_start3A_696 = tpu.memref_slice %arg3[%dma_start3A_694, %dma_start3A_695] : memref<100000x128xf32, #tpu.memory_space<hbm>> -> memref<100000x128xf32, #tpu.memory_space<hbm>>
      %dma_start3A_697 = tpu.memref_slice %arg7[%dma_start3A_685, %dma_start3A_686] : memref<2x4x!tpu.dma_semaphore, #tpu.memory_space<semaphore_mem>> -> memref<1x1x!tpu.dma_semaphore, #tpu.memory_space<semaphore_mem>>
      %dma_start3A_698 = tpu.memref_squeeze %dma_start3A_697 : memref<1x1x!tpu.dma_semaphore, #tpu.memory_space<semaphore_mem>> -> memref<!tpu.dma_semaphore, #tpu.memory_space<semaphore_mem>>
      tpu.enqueue_indirect_dma source(%dma_start3A_696 : memref<100000x128xf32, #tpu.memory_space<hbm>>) target(%dma_start3A_690 : memref<80x128xf32, #tpu.memory_space<vmem>>) offsets(%dma_start3A_693 : memref<80xi32, #tpu.memory_space<vmem>>) semaphore(%dma_start3A_698 : memref<!tpu.dma_semaphore, #tpu.memory_space<semaphore_mem>>)
    }
    %scan3A_136 = arith.constant 39 : i32
    %dma_wait3A = arith.constant 0 : i32
    %dma_wait3A_137 = arith.constant 0 : i32
    %dma_wait3A_138 = arith.constant 0 : i32
    %dma_wait3A_139 = arith.constant 0 : i32
    %dma_wait3A_140 = arith.constant 0 : i32
    %dma_wait3A_141 = arith.constant 0 : i32
    %dma_wait3A_142 = tpu.memref_slice %arg6[%dma_wait3A_137, %dma_wait3A_140, %dma_wait3A_141] : memref<2x320x128xf32, #tpu.memory_space<vmem>> -> memref<1x80x128xf32, #tpu.memory_space<vmem>>
    %dma_wait3A_143 = tpu.memref_squeeze %dma_wait3A_142 : memref<1x80x128xf32, #tpu.memory_space<vmem>> -> memref<80x128xf32, #tpu.memory_space<vmem>>
    %dma_wait3A_144 = arith.constant 0 : i32
    %dma_wait3A_145 = tpu.memref_slice %arg5[%dma_wait3A, %dma_wait3A_144] : memref<320x80xi32, #tpu.memory_space<vmem>> -> memref<1x80xi32, #tpu.memory_space<vmem>>
    %dma_wait3A_146 = tpu.memref_squeeze %dma_wait3A_145 : memref<1x80xi32, #tpu.memory_space<vmem>> -> memref<80xi32, #tpu.memory_space<vmem>>
    %dma_wait3A_147 = arith.constant 0 : i32
    %dma_wait3A_148 = arith.constant 0 : i32
    %dma_wait3A_149 = tpu.memref_slice %arg3[%dma_wait3A_147, %dma_wait3A_148] : memref<100000x128xf32, #tpu.memory_space<hbm>> -> memref<100000x128xf32, #tpu.memory_space<hbm>>
    %dma_wait3A_150 = tpu.memref_slice %arg7[%dma_wait3A_138, %dma_wait3A_139] : memref<2x4x!tpu.dma_semaphore, #tpu.memory_space<semaphore_mem>> -> memref<1x1x!tpu.dma_semaphore, #tpu.memory_space<semaphore_mem>>
    %dma_wait3A_151 = tpu.memref_squeeze %dma_wait3A_150 : memref<1x1x!tpu.dma_semaphore, #tpu.memory_space<semaphore_mem>> -> memref<!tpu.dma_semaphore, #tpu.memory_space<semaphore_mem>>
    tpu.wait_indirect_dma semaphore(%dma_wait3A_151 : memref<!tpu.dma_semaphore, #tpu.memory_space<semaphore_mem>>) src(%dma_wait3A_149 : memref<100000x128xf32, #tpu.memory_space<hbm>>) dst(%dma_wait3A_143 : memref<80x128xf32, #tpu.memory_space<vmem>>)
    %dma_wait3A_152 = arith.constant 0 : i32
    %dma_wait3A_153 = arith.constant 0 : i32
    %dma_wait3A_154 = arith.constant 0 : i32
    %dma_wait3A_155 = arith.constant 1 : i32
    %dma_wait3A_156 = arith.constant 80 : i32
    %dma_wait3A_157 = arith.constant 0 : i32
    %dma_wait3A_158 = tpu.memref_slice %arg6[%dma_wait3A_153, %dma_wait3A_156, %dma_wait3A_157] : memref<2x320x128xf32, #tpu.memory_space<vmem>> -> memref<1x80x128xf32, #tpu.memory_space<vmem>>
    %dma_wait3A_159 = tpu.memref_squeeze %dma_wait3A_158 : memref<1x80x128xf32, #tpu.memory_space<vmem>> -> memref<80x128xf32, #tpu.memory_space<vmem>>
    %dma_wait3A_160 = arith.constant 0 : i32
    %dma_wait3A_161 = tpu.memref_slice %arg5[%dma_wait3A_152, %dma_wait3A_160] : memref<320x80xi32, #tpu.memory_space<vmem>> -> memref<1x80xi32, #tpu.memory_space<vmem>>
    %dma_wait3A_162 = tpu.memref_squeeze %dma_wait3A_161 : memref<1x80xi32, #tpu.memory_space<vmem>> -> memref<80xi32, #tpu.memory_space<vmem>>
    %dma_wait3A_163 = arith.constant 0 : i32
    %dma_wait3A_164 = arith.constant 0 : i32
    %dma_wait3A_165 = tpu.memref_slice %arg3[%dma_wait3A_163, %dma_wait3A_164] : memref<100000x128xf32, #tpu.memory_space<hbm>> -> memref<100000x128xf32, #tpu.memory_space<hbm>>
    %dma_wait3A_166 = tpu.memref_slice %arg7[%dma_wait3A_154, %dma_wait3A_155] : memref<2x4x!tpu.dma_semaphore, #tpu.memory_space<semaphore_mem>> -> memref<1x1x!tpu.dma_semaphore, #tpu.memory_space<semaphore_mem>>
    %dma_wait3A_167 = tpu.memref_squeeze %dma_wait3A_166 : memref<1x1x!tpu.dma_semaphore, #tpu.memory_space<semaphore_mem>> -> memref<!tpu.dma_semaphore, #tpu.memory_space<semaphore_mem>>
    tpu.wait_indirect_dma semaphore(%dma_wait3A_167 : memref<!tpu.dma_semaphore, #tpu.memory_space<semaphore_mem>>) src(%dma_wait3A_165 : memref<100000x128xf32, #tpu.memory_space<hbm>>) dst(%dma_wait3A_159 : memref<80x128xf32, #tpu.memory_space<vmem>>)
    %dma_wait3A_168 = arith.constant 0 : i32
    %dma_wait3A_169 = arith.constant 0 : i32
    %dma_wait3A_170 = arith.constant 0 : i32
    %dma_wait3A_171 = arith.constant 2 : i32
    %dma_wait3A_172 = arith.constant 160 : i32
    %dma_wait3A_173 = arith.constant 0 : i32
    %dma_wait3A_174 = tpu.memref_slice %arg6[%dma_wait3A_169, %dma_wait3A_172, %dma_wait3A_173] : memref<2x320x128xf32, #tpu.memory_space<vmem>> -> memref<1x80x128xf32, #tpu.memory_space<vmem>>
    %dma_wait3A_175 = tpu.memref_squeeze %dma_wait3A_174 : memref<1x80x128xf32, #tpu.memory_space<vmem>> -> memref<80x128xf32, #tpu.memory_space<vmem>>
    %dma_wait3A_176 = arith.constant 0 : i32
    %dma_wait3A_177 = tpu.memref_slice %arg5[%dma_wait3A_168, %dma_wait3A_176] : memref<320x80xi32, #tpu.memory_space<vmem>> -> memref<1x80xi32, #tpu.memory_space<vmem>>
    %dma_wait3A_178 = tpu.memref_squeeze %dma_wait3A_177 : memref<1x80xi32, #tpu.memory_space<vmem>> -> memref<80xi32, #tpu.memory_space<vmem>>
    %dma_wait3A_179 = arith.constant 0 : i32
    %dma_wait3A_180 = arith.constant 0 : i32
    %dma_wait3A_181 = tpu.memref_slice %arg3[%dma_wait3A_179, %dma_wait3A_180] : memref<100000x128xf32, #tpu.memory_space<hbm>> -> memref<100000x128xf32, #tpu.memory_space<hbm>>
    %dma_wait3A_182 = tpu.memref_slice %arg7[%dma_wait3A_170, %dma_wait3A_171] : memref<2x4x!tpu.dma_semaphore, #tpu.memory_space<semaphore_mem>> -> memref<1x1x!tpu.dma_semaphore, #tpu.memory_space<semaphore_mem>>
    %dma_wait3A_183 = tpu.memref_squeeze %dma_wait3A_182 : memref<1x1x!tpu.dma_semaphore, #tpu.memory_space<semaphore_mem>> -> memref<!tpu.dma_semaphore, #tpu.memory_space<semaphore_mem>>
    tpu.wait_indirect_dma semaphore(%dma_wait3A_183 : memref<!tpu.dma_semaphore, #tpu.memory_space<semaphore_mem>>) src(%dma_wait3A_181 : memref<100000x128xf32, #tpu.memory_space<hbm>>) dst(%dma_wait3A_175 : memref<80x128xf32, #tpu.memory_space<vmem>>)
    %dma_wait3A_184 = arith.constant 0 : i32
    %dma_wait3A_185 = arith.constant 0 : i32
    %dma_wait3A_186 = arith.constant 0 : i32
    %dma_wait3A_187 = arith.constant 3 : i32
    %dma_wait3A_188 = arith.constant 240 : i32
    %dma_wait3A_189 = arith.constant 0 : i32
    %dma_wait3A_190 = tpu.memref_slice %arg6[%dma_wait3A_185, %dma_wait3A_188, %dma_wait3A_189] : memref<2x320x128xf32, #tpu.memory_space<vmem>> -> memref<1x80x128xf32, #tpu.memory_space<vmem>>
    %dma_wait3A_191 = tpu.memref_squeeze %dma_wait3A_190 : memref<1x80x128xf32, #tpu.memory_space<vmem>> -> memref<80x128xf32, #tpu.memory_space<vmem>>
    %dma_wait3A_192 = arith.constant 0 : i32
    %dma_wait3A_193 = tpu.memref_slice %arg5[%dma_wait3A_184, %dma_wait3A_192] : memref<320x80xi32, #tpu.memory_space<vmem>> -> memref<1x80xi32, #tpu.memory_space<vmem>>
    %dma_wait3A_194 = tpu.memref_squeeze %dma_wait3A_193 : memref<1x80xi32, #tpu.memory_space<vmem>> -> memref<80xi32, #tpu.memory_space<vmem>>
    %dma_wait3A_195 = arith.constant 0 : i32
    %dma_wait3A_196 = arith.constant 0 : i32
    %dma_wait3A_197 = tpu.memref_slice %arg3[%dma_wait3A_195, %dma_wait3A_196] : memref<100000x128xf32, #tpu.memory_space<hbm>> -> memref<100000x128xf32, #tpu.memory_space<hbm>>
    %dma_wait3A_198 = tpu.memref_slice %arg7[%dma_wait3A_186, %dma_wait3A_187] : memref<2x4x!tpu.dma_semaphore, #tpu.memory_space<semaphore_mem>> -> memref<1x1x!tpu.dma_semaphore, #tpu.memory_space<semaphore_mem>>
    %dma_wait3A_199 = tpu.memref_squeeze %dma_wait3A_198 : memref<1x1x!tpu.dma_semaphore, #tpu.memory_space<semaphore_mem>> -> memref<!tpu.dma_semaphore, #tpu.memory_space<semaphore_mem>>
    tpu.wait_indirect_dma semaphore(%dma_wait3A_199 : memref<!tpu.dma_semaphore, #tpu.memory_space<semaphore_mem>>) src(%dma_wait3A_197 : memref<100000x128xf32, #tpu.memory_space<hbm>>) dst(%dma_wait3A_191 : memref<80x128xf32, #tpu.memory_space<vmem>>)
    %add3A_200 = arith.constant 24960 : i32
    %add3A_201 = arith.addi %mul3A_4, %add3A_200 : i32
    %dma_start3A_202 = arith.constant 0 : i32
    %dma_start3A_203 = arith.constant 0 : i32
    %dma_start3A_204 = arith.constant 0 : i32
    %dma_start3A_205 = arith.constant 0 : i32
    %dma_start3A_206 = tpu.memref_slice %arg6[%dma_start3A_202, %dma_start3A_204, %dma_start3A_205] : memref<2x320x128xf32, #tpu.memory_space<vmem>> -> memref<1x320x128xf32, #tpu.memory_space<vmem>>
    %dma_start3A_207 = tpu.memref_squeeze %dma_start3A_206 : memref<1x320x128xf32, #tpu.memory_space<vmem>> -> memref<320x128xf32, #tpu.memory_space<vmem>>
    %dma_start3A_208 = arith.constant 0 : i32
    %dma_start3A_209 = tpu.memref_slice %arg4[%add3A_201, %dma_start3A_208] : memref<819200x128xf32, #tpu.memory_space<hbm>> -> memref<320x128xf32, #tpu.memory_space<hbm>>
    %dma_start3A_210 = tpu.memref_slice %arg8[%dma_start3A_203] : memref<2x!tpu.dma_semaphore, #tpu.memory_space<semaphore_mem>> -> memref<1x!tpu.dma_semaphore, #tpu.memory_space<semaphore_mem>>
    %dma_start3A_211 = tpu.memref_squeeze %dma_start3A_210 : memref<1x!tpu.dma_semaphore, #tpu.memory_space<semaphore_mem>> -> memref<!tpu.dma_semaphore, #tpu.memory_space<semaphore_mem>>
    %dma_start3A_212 = arith.constant 0 : i32
    %dma_start3A_213 = tpu.memref_slice %arg4[%add3A_201, %dma_start3A_212] : memref<819200x128xf32, #tpu.memory_space<hbm>> -> memref<320x128xf32, #tpu.memory_space<hbm>>
    %dma_start3A_214 = arith.constant 0 : i32
    %dma_start3A_215 = arith.constant 0 : i32
    %dma_start3A_216 = tpu.memref_slice %arg6[%dma_start3A_202, %dma_start3A_214, %dma_start3A_215] : memref<2x320x128xf32, #tpu.memory_space<vmem>> -> memref<1x320x128xf32, #tpu.memory_space<vmem>>
    %dma_start3A_217 = tpu.memref_squeeze %dma_start3A_216 : memref<1x320x128xf32, #tpu.memory_space<vmem>> -> memref<320x128xf32, #tpu.memory_space<vmem>>
    tpu.enqueue_dma source(%dma_start3A_217 : memref<320x128xf32, #tpu.memory_space<vmem>>) target(%dma_start3A_213 : memref<320x128xf32, #tpu.memory_space<hbm>>) target_semaphore(%dma_start3A_211 : memref<!tpu.dma_semaphore, #tpu.memory_space<semaphore_mem>>)
    %dma_wait3A_218 = arith.constant 0 : i32
    %dma_wait3A_219 = arith.constant 1 : i32
    %dma_wait3A_220 = arith.constant 1 : i32
    %dma_wait3A_221 = arith.constant 0 : i32
    %dma_wait3A_222 = arith.constant 0 : i32
    %dma_wait3A_223 = arith.constant 0 : i32
    %dma_wait3A_224 = tpu.memref_slice %arg6[%dma_wait3A_219, %dma_wait3A_222, %dma_wait3A_223] : memref<2x320x128xf32, #tpu.memory_space<vmem>> -> memref<1x80x128xf32, #tpu.memory_space<vmem>>
    %dma_wait3A_225 = tpu.memref_squeeze %dma_wait3A_224 : memref<1x80x128xf32, #tpu.memory_space<vmem>> -> memref<80x128xf32, #tpu.memory_space<vmem>>
    %dma_wait3A_226 = arith.constant 0 : i32
    %dma_wait3A_227 = tpu.memref_slice %arg5[%dma_wait3A_218, %dma_wait3A_226] : memref<320x80xi32, #tpu.memory_space<vmem>> -> memref<1x80xi32, #tpu.memory_space<vmem>>
    %dma_wait3A_228 = tpu.memref_squeeze %dma_wait3A_227 : memref<1x80xi32, #tpu.memory_space<vmem>> -> memref<80xi32, #tpu.memory_space<vmem>>
    %dma_wait3A_229 = arith.constant 0 : i32
    %dma_wait3A_230 = arith.constant 0 : i32
    %dma_wait3A_231 = tpu.memref_slice %arg3[%dma_wait3A_229, %dma_wait3A_230] : memref<100000x128xf32, #tpu.memory_space<hbm>> -> memref<100000x128xf32, #tpu.memory_space<hbm>>
    %dma_wait3A_232 = tpu.memref_slice %arg7[%dma_wait3A_220, %dma_wait3A_221] : memref<2x4x!tpu.dma_semaphore, #tpu.memory_space<semaphore_mem>> -> memref<1x1x!tpu.dma_semaphore, #tpu.memory_space<semaphore_mem>>
    %dma_wait3A_233 = tpu.memref_squeeze %dma_wait3A_232 : memref<1x1x!tpu.dma_semaphore, #tpu.memory_space<semaphore_mem>> -> memref<!tpu.dma_semaphore, #tpu.memory_space<semaphore_mem>>
    tpu.wait_indirect_dma semaphore(%dma_wait3A_233 : memref<!tpu.dma_semaphore, #tpu.memory_space<semaphore_mem>>) src(%dma_wait3A_231 : memref<100000x128xf32, #tpu.memory_space<hbm>>) dst(%dma_wait3A_225 : memref<80x128xf32, #tpu.memory_space<vmem>>)
    %dma_wait3A_234 = arith.constant 0 : i32
    %dma_wait3A_235 = arith.constant 1 : i32
    %dma_wait3A_236 = arith.constant 1 : i32
    %dma_wait3A_237 = arith.constant 1 : i32
    %dma_wait3A_238 = arith.constant 80 : i32
    %dma_wait3A_239 = arith.constant 0 : i32
    %dma_wait3A_240 = tpu.memref_slice %arg6[%dma_wait3A_235, %dma_wait3A_238, %dma_wait3A_239] : memref<2x320x128xf32, #tpu.memory_space<vmem>> -> memref<1x80x128xf32, #tpu.memory_space<vmem>>
    %dma_wait3A_241 = tpu.memref_squeeze %dma_wait3A_240 : memref<1x80x128xf32, #tpu.memory_space<vmem>> -> memref<80x128xf32, #tpu.memory_space<vmem>>
    %dma_wait3A_242 = arith.constant 0 : i32
    %dma_wait3A_243 = tpu.memref_slice %arg5[%dma_wait3A_234, %dma_wait3A_242] : memref<320x80xi32, #tpu.memory_space<vmem>> -> memref<1x80xi32, #tpu.memory_space<vmem>>
    %dma_wait3A_244 = tpu.memref_squeeze %dma_wait3A_243 : memref<1x80xi32, #tpu.memory_space<vmem>> -> memref<80xi32, #tpu.memory_space<vmem>>
    %dma_wait3A_245 = arith.constant 0 : i32
    %dma_wait3A_246 = arith.constant 0 : i32
    %dma_wait3A_247 = tpu.memref_slice %arg3[%dma_wait3A_245, %dma_wait3A_246] : memref<100000x128xf32, #tpu.memory_space<hbm>> -> memref<100000x128xf32, #tpu.memory_space<hbm>>
    %dma_wait3A_248 = tpu.memref_slice %arg7[%dma_wait3A_236, %dma_wait3A_237] : memref<2x4x!tpu.dma_semaphore, #tpu.memory_space<semaphore_mem>> -> memref<1x1x!tpu.dma_semaphore, #tpu.memory_space<semaphore_mem>>
    %dma_wait3A_249 = tpu.memref_squeeze %dma_wait3A_248 : memref<1x1x!tpu.dma_semaphore, #tpu.memory_space<semaphore_mem>> -> memref<!tpu.dma_semaphore, #tpu.memory_space<semaphore_mem>>
    tpu.wait_indirect_dma semaphore(%dma_wait3A_249 : memref<!tpu.dma_semaphore, #tpu.memory_space<semaphore_mem>>) src(%dma_wait3A_247 : memref<100000x128xf32, #tpu.memory_space<hbm>>) dst(%dma_wait3A_241 : memref<80x128xf32, #tpu.memory_space<vmem>>)
    %dma_wait3A_250 = arith.constant 0 : i32
    %dma_wait3A_251 = arith.constant 1 : i32
    %dma_wait3A_252 = arith.constant 1 : i32
    %dma_wait3A_253 = arith.constant 2 : i32
    %dma_wait3A_254 = arith.constant 160 : i32
    %dma_wait3A_255 = arith.constant 0 : i32
    %dma_wait3A_256 = tpu.memref_slice %arg6[%dma_wait3A_251, %dma_wait3A_254, %dma_wait3A_255] : memref<2x320x128xf32, #tpu.memory_space<vmem>> -> memref<1x80x128xf32, #tpu.memory_space<vmem>>
    %dma_wait3A_257 = tpu.memref_squeeze %dma_wait3A_256 : memref<1x80x128xf32, #tpu.memory_space<vmem>> -> memref<80x128xf32, #tpu.memory_space<vmem>>
    %dma_wait3A_258 = arith.constant 0 : i32
    %dma_wait3A_259 = tpu.memref_slice %arg5[%dma_wait3A_250, %dma_wait3A_258] : memref<320x80xi32, #tpu.memory_space<vmem>> -> memref<1x80xi32, #tpu.memory_space<vmem>>
    %dma_wait3A_260 = tpu.memref_squeeze %dma_wait3A_259 : memref<1x80xi32, #tpu.memory_space<vmem>> -> memref<80xi32, #tpu.memory_space<vmem>>
    %dma_wait3A_261 = arith.constant 0 : i32
    %dma_wait3A_262 = arith.constant 0 : i32
    %dma_wait3A_263 = tpu.memref_slice %arg3[%dma_wait3A_261, %dma_wait3A_262] : memref<100000x128xf32, #tpu.memory_space<hbm>> -> memref<100000x128xf32, #tpu.memory_space<hbm>>
    %dma_wait3A_264 = tpu.memref_slice %arg7[%dma_wait3A_252, %dma_wait3A_253] : memref<2x4x!tpu.dma_semaphore, #tpu.memory_space<semaphore_mem>> -> memref<1x1x!tpu.dma_semaphore, #tpu.memory_space<semaphore_mem>>
    %dma_wait3A_265 = tpu.memref_squeeze %dma_wait3A_264 : memref<1x1x!tpu.dma_semaphore, #tpu.memory_space<semaphore_mem>> -> memref<!tpu.dma_semaphore, #tpu.memory_space<semaphore_mem>>
    tpu.wait_indirect_dma semaphore(%dma_wait3A_265 : memref<!tpu.dma_semaphore, #tpu.memory_space<semaphore_mem>>) src(%dma_wait3A_263 : memref<100000x128xf32, #tpu.memory_space<hbm>>) dst(%dma_wait3A_257 : memref<80x128xf32, #tpu.memory_space<vmem>>)
    %dma_wait3A_266 = arith.constant 0 : i32
    %dma_wait3A_267 = arith.constant 1 : i32
    %dma_wait3A_268 = arith.constant 1 : i32
    %dma_wait3A_269 = arith.constant 3 : i32
    %dma_wait3A_270 = arith.constant 240 : i32
    %dma_wait3A_271 = arith.constant 0 : i32
    %dma_wait3A_272 = tpu.memref_slice %arg6[%dma_wait3A_267, %dma_wait3A_270, %dma_wait3A_271] : memref<2x320x128xf32, #tpu.memory_space<vmem>> -> memref<1x80x128xf32, #tpu.memory_space<vmem>>
    %dma_wait3A_273 = tpu.memref_squeeze %dma_wait3A_272 : memref<1x80x128xf32, #tpu.memory_space<vmem>> -> memref<80x128xf32, #tpu.memory_space<vmem>>
    %dma_wait3A_274 = arith.constant 0 : i32
    %dma_wait3A_275 = tpu.memref_slice %arg5[%dma_wait3A_266, %dma_wait3A_274] : memref<320x80xi32, #tpu.memory_space<vmem>> -> memref<1x80xi32, #tpu.memory_space<vmem>>
    %dma_wait3A_276 = tpu.memref_squeeze %dma_wait3A_275 : memref<1x80xi32, #tpu.memory_space<vmem>> -> memref<80xi32, #tpu.memory_space<vmem>>
    %dma_wait3A_277 = arith.constant 0 : i32
    %dma_wait3A_278 = arith.constant 0 : i32
    %dma_wait3A_279 = tpu.memref_slice %arg3[%dma_wait3A_277, %dma_wait3A_278] : memref<100000x128xf32, #tpu.memory_space<hbm>> -> memref<100000x128xf32, #tpu.memory_space<hbm>>
    %dma_wait3A_280 = tpu.memref_slice %arg7[%dma_wait3A_268, %dma_wait3A_269] : memref<2x4x!tpu.dma_semaphore, #tpu.memory_space<semaphore_mem>> -> memref<1x1x!tpu.dma_semaphore, #tpu.memory_space<semaphore_mem>>
    %dma_wait3A_281 = tpu.memref_squeeze %dma_wait3A_280 : memref<1x1x!tpu.dma_semaphore, #tpu.memory_space<semaphore_mem>> -> memref<!tpu.dma_semaphore, #tpu.memory_space<semaphore_mem>>
    tpu.wait_indirect_dma semaphore(%dma_wait3A_281 : memref<!tpu.dma_semaphore, #tpu.memory_space<semaphore_mem>>) src(%dma_wait3A_279 : memref<100000x128xf32, #tpu.memory_space<hbm>>) dst(%dma_wait3A_273 : memref<80x128xf32, #tpu.memory_space<vmem>>)
    %add3A_282 = arith.constant 25280 : i32
    %add3A_283 = arith.addi %mul3A_4, %add3A_282 : i32
    %dma_start3A_284 = arith.constant 1 : i32
    %dma_start3A_285 = arith.constant 1 : i32
    %dma_start3A_286 = arith.constant 0 : i32
    %dma_start3A_287 = arith.constant 0 : i32
    %dma_start3A_288 = tpu.memref_slice %arg6[%dma_start3A_284, %dma_start3A_286, %dma_start3A_287] : memref<2x320x128xf32, #tpu.memory_space<vmem>> -> memref<1x320x128xf32, #tpu.memory_space<vmem>>
    %dma_start3A_289 = tpu.memref_squeeze %dma_start3A_288 : memref<1x320x128xf32, #tpu.memory_space<vmem>> -> memref<320x128xf32, #tpu.memory_space<vmem>>
    %dma_start3A_290 = arith.constant 0 : i32
    %dma_start3A_291 = tpu.memref_slice %arg4[%add3A_283, %dma_start3A_290] : memref<819200x128xf32, #tpu.memory_space<hbm>> -> memref<320x128xf32, #tpu.memory_space<hbm>>
    %dma_start3A_292 = tpu.memref_slice %arg8[%dma_start3A_285] : memref<2x!tpu.dma_semaphore, #tpu.memory_space<semaphore_mem>> -> memref<1x!tpu.dma_semaphore, #tpu.memory_space<semaphore_mem>>
    %dma_start3A_293 = tpu.memref_squeeze %dma_start3A_292 : memref<1x!tpu.dma_semaphore, #tpu.memory_space<semaphore_mem>> -> memref<!tpu.dma_semaphore, #tpu.memory_space<semaphore_mem>>
    %dma_start3A_294 = arith.constant 0 : i32
    %dma_start3A_295 = tpu.memref_slice %arg4[%add3A_283, %dma_start3A_294] : memref<819200x128xf32, #tpu.memory_space<hbm>> -> memref<320x128xf32, #tpu.memory_space<hbm>>
    %dma_start3A_296 = arith.constant 0 : i32
    %dma_start3A_297 = arith.constant 0 : i32
    %dma_start3A_298 = tpu.memref_slice %arg6[%dma_start3A_284, %dma_start3A_296, %dma_start3A_297] : memref<2x320x128xf32, #tpu.memory_space<vmem>> -> memref<1x320x128xf32, #tpu.memory_space<vmem>>
    %dma_start3A_299 = tpu.memref_squeeze %dma_start3A_298 : memref<1x320x128xf32, #tpu.memory_space<vmem>> -> memref<320x128xf32, #tpu.memory_space<vmem>>
    tpu.enqueue_dma source(%dma_start3A_299 : memref<320x128xf32, #tpu.memory_space<vmem>>) target(%dma_start3A_295 : memref<320x128xf32, #tpu.memory_space<hbm>>) target_semaphore(%dma_start3A_293 : memref<!tpu.dma_semaphore, #tpu.memory_space<semaphore_mem>>)
    %dma_wait3A_300 = arith.constant 0 : i32
    %dma_wait3A_301 = arith.constant 0 : i32
    %dma_wait3A_302 = arith.constant 0 : i32
    %dma_wait3A_303 = arith.constant 0 : i32
    %dma_wait3A_304 = tpu.memref_slice %arg6[%dma_wait3A_300, %dma_wait3A_302, %dma_wait3A_303] : memref<2x320x128xf32, #tpu.memory_space<vmem>> -> memref<1x320x128xf32, #tpu.memory_space<vmem>>
    %dma_wait3A_305 = tpu.memref_squeeze %dma_wait3A_304 : memref<1x320x128xf32, #tpu.memory_space<vmem>> -> memref<320x128xf32, #tpu.memory_space<vmem>>
    %dma_wait3A_306 = arith.constant 0 : i32
    %dma_wait3A_307 = arith.constant 0 : i32
    %dma_wait3A_308 = tpu.memref_slice %arg4[%dma_wait3A_306, %dma_wait3A_307] : memref<819200x128xf32, #tpu.memory_space<hbm>> -> memref<320x128xf32, #tpu.memory_space<hbm>>
    %dma_wait3A_309 = tpu.memref_slice %arg8[%dma_wait3A_301] : memref<2x!tpu.dma_semaphore, #tpu.memory_space<semaphore_mem>> -> memref<1x!tpu.dma_semaphore, #tpu.memory_space<semaphore_mem>>
    %dma_wait3A_310 = tpu.memref_squeeze %dma_wait3A_309 : memref<1x!tpu.dma_semaphore, #tpu.memory_space<semaphore_mem>> -> memref<!tpu.dma_semaphore, #tpu.memory_space<semaphore_mem>>
    %dma_wait3A_311 = arith.constant 0 : i32
    %dma_wait3A_312 = arith.constant 0 : i32
    %dma_wait3A_313 = tpu.memref_slice %arg4[%dma_wait3A_311, %dma_wait3A_312] : memref<819200x128xf32, #tpu.memory_space<hbm>> -> memref<320x128xf32, #tpu.memory_space<hbm>>
    %dma_wait3A_314 = arith.constant 0 : i32
    %dma_wait3A_315 = arith.constant 0 : i32
    %dma_wait3A_316 = tpu.memref_slice %arg6[%dma_wait3A_300, %dma_wait3A_314, %dma_wait3A_315] : memref<2x320x128xf32, #tpu.memory_space<vmem>> -> memref<1x320x128xf32, #tpu.memory_space<vmem>>
    %dma_wait3A_317 = tpu.memref_squeeze %dma_wait3A_316 : memref<1x320x128xf32, #tpu.memory_space<vmem>> -> memref<320x128xf32, #tpu.memory_space<vmem>>
    tpu.wait_dma2 semaphore(%dma_wait3A_310 : memref<!tpu.dma_semaphore, #tpu.memory_space<semaphore_mem>>) src(%dma_wait3A_317 : memref<320x128xf32, #tpu.memory_space<vmem>>) dst(%dma_wait3A_313 : memref<320x128xf32, #tpu.memory_space<hbm>>)
    %dma_wait3A_318 = arith.constant 1 : i32
    %dma_wait3A_319 = arith.constant 1 : i32
    %dma_wait3A_320 = arith.constant 0 : i32
    %dma_wait3A_321 = arith.constant 0 : i32
    %dma_wait3A_322 = tpu.memref_slice %arg6[%dma_wait3A_318, %dma_wait3A_320, %dma_wait3A_321] : memref<2x320x128xf32, #tpu.memory_space<vmem>> -> memref<1x320x128xf32, #tpu.memory_space<vmem>>
    %dma_wait3A_323 = tpu.memref_squeeze %dma_wait3A_322 : memref<1x320x128xf32, #tpu.memory_space<vmem>> -> memref<320x128xf32, #tpu.memory_space<vmem>>
    %dma_wait3A_324 = arith.constant 0 : i32
    %dma_wait3A_325 = arith.constant 0 : i32
    %dma_wait3A_326 = tpu.memref_slice %arg4[%dma_wait3A_324, %dma_wait3A_325] : memref<819200x128xf32, #tpu.memory_space<hbm>> -> memref<320x128xf32, #tpu.memory_space<hbm>>
    %dma_wait3A_327 = tpu.memref_slice %arg8[%dma_wait3A_319] : memref<2x!tpu.dma_semaphore, #tpu.memory_space<semaphore_mem>> -> memref<1x!tpu.dma_semaphore, #tpu.memory_space<semaphore_mem>>
    %dma_wait3A_328 = tpu.memref_squeeze %dma_wait3A_327 : memref<1x!tpu.dma_semaphore, #tpu.memory_space<semaphore_mem>> -> memref<!tpu.dma_semaphore, #tpu.memory_space<semaphore_mem>>
    %dma_wait3A_329 = arith.constant 0 : i32
    %dma_wait3A_330 = arith.constant 0 : i32
    %dma_wait3A_331 = tpu.memref_slice %arg4[%dma_wait3A_329, %dma_wait3A_330] : memref<819200x128xf32, #tpu.memory_space<hbm>> -> memref<320x128xf32, #tpu.memory_space<hbm>>
    %dma_wait3A_332 = arith.constant 0 : i32
    %dma_wait3A_333 = arith.constant 0 : i32
    %dma_wait3A_334 = tpu.memref_slice %arg6[%dma_wait3A_318, %dma_wait3A_332, %dma_wait3A_333] : memref<2x320x128xf32, #tpu.memory_space<vmem>> -> memref<1x320x128xf32, #tpu.memory_space<vmem>>
    %dma_wait3A_335 = tpu.memref_squeeze %dma_wait3A_334 : memref<1x320x128xf32, #tpu.memory_space<vmem>> -> memref<320x128xf32, #tpu.memory_space<vmem>>
    tpu.wait_dma2 semaphore(%dma_wait3A_328 : memref<!tpu.dma_semaphore, #tpu.memory_space<semaphore_mem>>) src(%dma_wait3A_335 : memref<320x128xf32, #tpu.memory_space<vmem>>) dst(%dma_wait3A_331 : memref<320x128xf32, #tpu.memory_space<hbm>>)
    return
  }
}

</mosaic_0001>

<sc_bundles>
// kernel: kernel.3.cloned.1.call-start
scs
__scs_entry_jumppad:
0x0: {  	(pc) =	sbr.rel $0x88, $3  }
0x1: {  	(tag) =	ssettag $0x0;
	lr =	simm.s32 $0x1  }
0x2: {  	[smem:$0x3F9F] =	sst lr;
	_ =	strace $0xD0000000  }
0x3: {  	_ = 	snop  }
0x4: {  	_ = 	snop  }
0x5: {  	_ = 	snop  }
0x6: {  	_ = 	snop  }
0x7: {  	_ = 	snop  }
__scs_overlays_trampoline_lowered:
0x8: {  	[smem:$0x3FAE] =	sst s0  }
0x9: {  	[smem:$0x3FAF] =	sst s1  }
0xa: {  	[smem:$0x3FB0] =	sst s2  }
0xb: {  	[smem:$0x3FB1] =	sst s3  }
0xc: {  	[smem:$0x3FB2] =	sst s4  }
0xd: {  	[smem:$0x3FB3] =	sst s5  }
0xe: {  	[smem:$0x3FB4] =	sst s6  }
0xf: {  	[smem:$0x3FB5] =	sst s7  }
0x10: {  	[smem:$0x3FB6] =	sst s8  }
0x11: {  	[smem:$0x3FB7] =	sst s9;
	s0 =	simm.s32 @!p0 $0x0  }
0x12: {  	s1 =	sld [smem:$0x3F9D];
	s0 =	simm.s32 @p0 $0x1  }
0x13: {  	[smem:$0x3FB8] =	sst s0;
	s0 =	simm.s32 @!p1 $0x0  }
0x14: {  	s2 =	sld [smem:$0x3F9C];
	s0 =	simm.s32 @p1 $0x1  }
0x15: {  	[smem:$0x3FB9] =	sst s0;
	s0 =	simm.s32 @!p2 $0x0  }
0x16: {  	s3 =	sld [smem:$0x3FDB];
	s0 =	simm.s32 @p2 $0x1  }
0x17: {  	s4 =	simm.s32 $0x1BF5;
	[smem:$0x3FBB] =	sst s0  }
0x18: {  	s0 =	sld [smem:$0x3F9E];
	_ =	swait.ge [sflag:s4], $0x0  }
0x19: {  	s7 =	sld [smem:$0x3F9F]  }
0x1a: {  	s8 =	sadd.s32 $0xFFFFE003, lr  }
0x1b: {  	s9 =	sadd.s32 $0xFFFFFEF7, lr;
	s5 =	simm.s32 $0xFFFFFFFF;
	p2 =	slt.u32 s8, $0xFFFFF086  }
0x1c: {  	p1 =	slt.u32 s9, $0xF7A;
	s5 =	simm.s32 @!p2 $0x0  }
0x1d: {  	s5 =	simm.s32 @p1 $0x1;
	p0 =	seq.s32 s7, s2  }
0x1e: {  	s7 =	smul.u32 @!p0 $0xF7A, s2;
	p2 =	seq.s32 @!p0 s5, $0x0  }
0x1f: {  	s9 =	smul.u32 $0xF7A, s1;
	s8 =	simm.s32 @!p0 $0x1BF5;
	p2 =	por !p2, p0  }
0x20: {  	[sflag:s8] =	ssyncset.s32 @!p0 $0xFFFFF086;
	s6 =	sadd.s32 @!p0 s3, s7;
	s7 =	simm.s32 @!p0 $0x108  }
0x21: {  	s3 =	sadd.s32 s3, s9;
	s6 =	sadd.s32 @!p0 $0x88, s6;
	s7 =	simm.s32 @p2 $0x1082  }
0x22: {  	[simem:s7], [sflag:s8] =	dma.local @!p0 [hbm:s6], $0xF7A  }
0x23: {  	s9 =	sor.u32 $0xD0000000, s2;
	s6 =	simm.s32 $0x108;
	_ =	swait.ge @!p0 [sflag:s8], $0x0  }
0x24: {  	s3 =	sadd.s32 $0x88, s3;
	s6 =	simm.s32 @!p1 $0x1082;
	[sflag:s4] =	ssyncset.s32 $0xFFFFF086  }
0x25: {  	[simem:s6], [sflag:s4] =	dma.local [hbm:s3], $0xF7A  }
0x26: {  	[smem:$0x3F9F] =	sst s1;
	(tag) =	ssettag s2;
	_ =	strace s9  }
0x27: {  	s1 =	sld [smem:$0x3FAF]  }
0x28: {  	s2 =	sld [smem:$0x3FB0]  }
0x29: {  	s4 =	sld [smem:$0x3FB2]  }
0x2a: {  	p0 =	seq.s32 s5, $0x0;
	s5 =	sld [smem:$0x3FB3]  }
0x2b: {  	s6 =	sld [smem:$0x3FB4]  }
0x2c: {  	s7 =	sld [smem:$0x3FB5]  }
0x2d: {  	s3 =	simm.s32 $0x108;
	s8 =	sld [smem:$0x3FB6]  }
0x2e: {  	s3 =	simm.s32 @!p0 $0x1082;
	s9 =	sld [smem:$0x3FB7]  }
0x2f: {  	lr =	sadd.s32 s0, s3;
	s0 =	sld [smem:$0x3FAE]  }
0x30: {  	s3 =	sld [smem:$0x3FB1]  }
0x31: {  	[smem:$0x3FBA] =	sst s10  }
0x32: {  	s10 =	sld [smem:$0x3FB8];
	_ =	sdelay $0x3  }
0x33: {  	p0 =	seq.s32 s10, $0x1;
	s10 =	sld [smem:$0x3FBA];
	_ =	sdelay $0x3  }
0x34: {  	[smem:$0x3FBA] =	sst s10  }
0x35: {  	s10 =	sld [smem:$0x3FB9];
	_ =	sdelay $0x3  }
0x36: {  	p1 =	seq.s32 s10, $0x1;
	s10 =	sld [smem:$0x3FBA];
	_ =	sdelay $0x3  }
0x37: {  	[smem:$0x3FBA] =	sst s10  }
0x38: {  	s10 =	sld [smem:$0x3FBB]  }
0x39: {  	_ = 	snop;
	(pc) =	sbr.ind lr, $3  }
0x3a: {  	_ = 	snop  }
0x3b: {  	_ = 	snop  }
0x3c: {  	p2 =	seq.s32 s10, $0x1;
	s10 =	sld [smem:$0x3FBA]  }
0x3d: {  	_ =	shalt  }
0x3e: {  	_ =	shalt  }
0x3f: {  	_ =	shalt  }
0x40: {  	_ =	shalt  }
0x41: {  	_ =	shalt  }
0x42: {  	_ =	shalt  }
0x43: {  	_ =	shalt  }
0x44: {  	_ =	shalt  }
0x45: {  	_ =	shalt  }
0x46: {  	_ =	shalt  }
0x47: {  	_ =	shalt  }
0x48: {  	_ =	shalt  }
0x49: {  	_ =	shalt  }
0x4a: {  	_ =	shalt  }
0x4b: {  	_ =	shalt  }
0x4c: {  	_ =	shalt  }
0x4d: {  	_ =	shalt  }
0x4e: {  	_ =	shalt  }
0x4f: {  	_ =	shalt  }
0x50: {  	_ =	shalt  }
0x51: {  	_ =	shalt  }
0x52: {  	_ =	shalt  }
0x53: {  	_ =	shalt  }
0x54: {  	_ =	shalt  }
0x55: {  	_ =	shalt  }
0x56: {  	_ =	shalt  }
0x57: {  	_ =	shalt  }
0x58: {  	_ =	shalt  }
0x59: {  	_ =	shalt  }
0x5a: {  	_ =	shalt  }
0x5b: {  	_ =	shalt  }
0x5c: {  	_ =	shalt  }
0x5d: {  	_ =	shalt  }
0x5e: {  	_ =	shalt  }
0x5f: {  	_ =	shalt  }
0x60: {  	_ =	shalt  }
0x61: {  	_ =	shalt  }
0x62: {  	_ =	shalt  }
0x63: {  	_ =	shalt  }
0x64: {  	_ =	shalt  }
0x65: {  	_ =	shalt  }
0x66: {  	_ =	shalt  }
0x67: {  	_ =	shalt  }
0x68: {  	_ =	shalt  }
0x69: {  	_ =	shalt  }
0x6a: {  	_ =	shalt  }
0x6b: {  	_ =	shalt  }
0x6c: {  	_ =	shalt  }
0x6d: {  	_ =	shalt  }
0x6e: {  	_ =	shalt  }
0x6f: {  	_ =	shalt  }
0x70: {  	_ =	shalt  }
0x71: {  	_ =	shalt  }
0x72: {  	_ =	shalt  }
0x73: {  	_ =	shalt  }
0x74: {  	_ =	shalt  }
0x75: {  	_ =	shalt  }
0x76: {  	_ =	shalt  }
0x77: {  	_ =	shalt  }
0x78: {  	_ =	shalt  }
0x79: {  	_ =	shalt  }
0x7a: {  	_ =	shalt  }
0x7b: {  	_ =	shalt  }
0x7c: {  	_ =	shalt  }
0x7d: {  	_ =	shalt  }
0x7e: {  	_ =	shalt  }
0x7f: {  	_ =	shalt  }
0x80: {  	_ =	shalt  }
0x81: {  	_ =	shalt  }
0x82: {  	_ =	shalt  }
0x83: {  	_ =	shalt  }
0x84: {  	_ =	shalt  }
0x85: {  	_ =	shalt  }
0x86: {  	_ =	shalt  }
0x87: {  	_ =	shalt  }
.Lfunc_end0:
.L_simem_size_0:
called_computation_lowered:
.L_overlay_start_0:
0x88: {  	s2 =	sld [smem:$0x3FD9]  }
0x89: {  	s3 =	sld [smem:$0x3FFE];
	_ =	sdelay $0x1  }
0x8a: {  	s1 =	srdreg.scid  }
0x8b: {  	s0 =	sand.u32 $0x1, s1  }
0x8c: {  	s17 =	sshll.u32 s0, $0xA;
	s2 =	sadd.s32 s3, s2  }
0x8d: {  	s2 =	sadd.s32 s2, s17  }
0x8e: {  	[smem:$0x3FC6] =	sst s2  }
0x8f: {  	_ = 	snop  }
0x90: {  	s2 =	sld [smem:$0x3FC8]  }
0x91: {  	s18 =	sld [smem:$0x3FD0];
	(tm) =	ssettm $0x1  }
0x92: {  	s4 =	sld [smem:$0x3FFB];
	_ =	sdelay $0x3  }
0x93: {  	_ =	strace s4  }
0x94: {  	s4 =	sld [smem:$0x3FFC];
	_ =	sdelay $0x3  }
0x95: {  	_ =	strace s4  }
0x96: {  	s4 =	sld [smem:$0x3FFD];
	_ =	sdelay $0x3  }
0x97: {  	_ =	strace s4  }
0x98: {  	_ =	strace $0x8FFFFFFF  }
0x99: {  	s19 =	sld [smem:$0x3FDB];
	_ =	sdelay $0x1  }
0x9a: {  	s5 =	simm.s32 $_scs_section_size  }
0x9b: {  	s6 =	simm.s32 $_size__tile_overlayer_lowered;
	s7 =	simm.s32 $_tile_overlayer_lowered  }
0x9c: {  	s22 =	simm.s32 $0x1BFF;
	s21 =	sshll.u32 s7, $0x1;
	s4 =	sadd.s32 s5, s19  }
0x9d: {  	s8 =	simm.s32 $0x0;
	s20 =	sshll.u32 s6, $0x1;
	s6 =	sadd.s32 s21, s4  }
0x9e: {  	[timem:s8], [sflag:s22] =	dma.local [hbm:s6], s20  }
0x9f: {  	_ =	swait.ge [sflag:s22], s20  }
0xa0: {  	s5 =	ssub.s32 $0x0, s20;
	[sflag:s22] =	ssyncset.done $0x0  }
0xa1: {  	[sflag:s22] =	ssyncadd.s32 s5;
	_ =	sdelay $0x1  }
0xa2: {  	s23 =	simm.s32 $0x1B8B  }
0xa3: {  	_ =	swait.ge [sflag:s23], $0x1  }
0xa4: {  	[sflag:s23] =	ssyncset.done $0x0  }
0xa5: {  	s25 =	simm.s32 $0x1B8E;
	s24 =	sld [smem:$0x3FFE];
	[sflag:s23] =	ssyncadd.s32 $0xFFFFFFFF  }
0xa6: {  	s26 =	simm.s32 $execute0_lowered;
	[smem:$0x3FD2] =	sst s25  }
0xa7: {  	s6 =	sshll.u32 s26, $0x1;
	_ =	strace $0x80000046;
	[dreg:$0x1] =	wrdreg $0xFFFFFFFF  }
0xa8: {  	s28 =	simm.s32 $_size_execute0_lowered;
	s4 =	sadd.s32 s4, s6;
	[dreg:$0x0] =	wrdreg $0x0  }
0xa9: {  	s6 =	sshll.u32 s28, $0x1;
	[dreg:$0x2] =	wrdreg s4  }
0xaa: {  	[dreg:$0x3] =	wrdreg s6  }
0xab: {  	[dreg:$0x4] =	wrdreg $0xC0  }
0xac: {  	_ =	task [dreg:s8], $0x5FFFF  }
0xad: {  	[dreg:$0x1] =	wrdreg $0xFFFFFFFF  }
0xae: {  	[dreg:$0x0] =	wrdreg $0x60  }
0xaf: {  	[dreg:$0x2] =	wrdreg s24  }
0xb0: {  	[dreg:$0x3] =	wrdreg s2  }
0xb1: {  	[dreg:$0x4] =	wrdreg s18  }
0xb2: {  	[dreg:$0x5] =	wrdreg $0x9  }
0xb3: {  	_ =	task.clear_ibuf [dreg:s8], $0x6FFFF;
	_ =	strace $0x90000046  }
0xb4: {  	s29 =	simm.s32 $0x9;
	_ =	strace $0x80000048  }
0xb5: {  	_ =	swait.ge [sflag:s29], $0x1  }
0xb6: {  	[sflag:s29] =	ssyncadd.s32 $0xFFFFFFFF  }
0xb7: {  	_ =	strace $0x90000048  }
0xb8: {  	_ =	sfence  }
0xb9: {  	s30 =	sld [smem:$0x0];
	_ =	sdelay $0x2  }
0xba: {  	s31 =	sshll.u32 s1, $0xD;
	s1 =	sshrl.u32 s1, $0x2  }
0xbb: {  	s3 =	sand.u32 $0x4000, s31;
	s1 =	sadd.s32 s1, s30  }
0xbc: {  	s0 =	sor.u32 s3, s0;
	s1 =	sshll.u32 s1, $0x11  }
0xbd: {  	s0 =	sor.u32 s1, s0  }
0xbe: {  	s0 =	sadd.s32 $0x8F2B, s0  }
0xbf: {  	[sflag:s0] =	ssyncadd.remote.s32 $0x1  }
0xc0: {  	_ =	sfence.sel $0xFFFF  }
0xc1: {  	[dreg:$0x0] =	wrdreg $0xFFFFFFFF;
	(pc) =	sbr.abs _section_cstart, $3  }
0xc2: {  	[dreg:$0x1] =	wrdreg $0xFFFFFFFF  }
0xc3: {  	_ =	task.clear_ibuf [dreg:s8], $0x2FFFF;
	_ =	strace $0x9FFFFFFF  }
0xc4: {  	(tm) =	ssettm $0x7FFFFFFF  }
0xc5: {  	_ =	shalt  }
tec
execute0_lowered:
.L_overlay_start_1:
0x0: {  	(tag) =	ssettag $0x1  }
0x1: {  	s0 =	rddreg [dreg:$0x0]  }
0x2: {  	s2 =	rddreg [dreg:$0x1];
	s1 =	srdreg.scid  }
0x3: {  	s8 =	stileid.u32;
	s5 =	rddreg [dreg:$0x2]  }
0x4: {  	s3 =	simm.s32 $0x0;
	s9 =	simm.s32 $0xB;
	s10 =	simm.s32 $0x50  }
0x5: {  	s11 =	simm.s32 $0xA000;
	s13 =	simm.s32 $0xC800;
	s15 =	simm.s32 $0xF000  }
0x6: {  	s17 =	simm.s32 $0x11800;
	s19 =	simm.s32 $0x14000;
	s21 =	simm.s32 $0x16800  }
0x7: {  	s28 =	simm.s32 $0x2;
	s29 =	simm.s32 $0x3;
	s30 =	simm.s32 $0x4  }
0x8: {  	s31 =	simm.s32 $0x5;
	s12 =	simm.s32 $0x8;
	s14 =	simm.s32 $0x9  }
0x9: {  	s16 =	simm.s32 $0xA;
	s18 =	simm.s32 $0x0;
	s1 =	sand.u32 $0x1, s1  }
0xa: {  	s4 =	sshll.u32 s8, $0x1;
	[smem:$0x7FF] =	sst s3;
	s8 =	smul.u32 $0xC8000, s8  }
0xb: {  	s4 =	sor.u32 s1, s4;
	s7 =	ssub.s32 $0x2, s1;
	s1 =	smul.u32 $0x64000, s1  }
0xc: {  	_ =	strace $0x80000047;
	s6 =	smul.u32 $0x1400, s4;
	s23 =	sshrl.u32 s7, $0x1  }
0xd: {  	s4 =	smul.u32 $0x320000, s4;
	s8 =	sadd.s32 s8, s5;
	s7 =	ssub.s32 s7, s23  }
0xe: {  	s26 =	sadd.s32 s1, s8;
	s23 =	simm.s32 $0x19000;
	s1 =	simm.s32 $0x6  }
0xf: {  	s0 =	sadd.s32 s6, s0;
	s24 =	sshrl.u32 s4, $0x3;
	s7 =	smax.u32 s7, $0x1  }
0x10: {  	s8 =	sadd.s32 $0x1400, s26;
	s0 =	sadd.s32 $0x400, s0;
	s25 =	sadd.s32 s5, s24  }
0x11: {  	s26 =	simm.s32 $0x1;
	[dreg:$0x4] =	wrdreg s0;
	s5 =	sadd.s32 $0x61800, s25  }
0x12: {  	s6 =	sadd.s32 $0x62C00, s25;
	s25 =	simm.s32 $0x1B800;
	s0 =	simm.s32 $0x7  }
.LBB2_1:
0x13: {  	s4 =	rddreg [dreg:$0x4]  }
0x14: {  	[tilespmem:s3], [sflag:$0xB] =	stream.linear.gather [hbm4b:s4+s3], $0xA000, $0x38;
	[tilespmem:$0x1E000] =	vst v63  }
0x15: {  	_ =	swait.ge [sflag:s9], $0xA000  }
0x16: {  	[sflag:s9] =	ssyncset.done $0x0  }
0x17: {  	[sflag:s9] =	ssyncadd.s32 $0xFFFF6000  }
0x18: {  	[tilespmem:s11], [sflag:$0x1] =	stream.indirect.gather [hbm4b:s2+s10], $0x80, s3, s10, $0xb8;
	[tilespmem:$0x1E000] =	vst v63  }
0x19: {  	s22 =	simm.s32 $0x80  }
0x1a: {  	[tilespmem:s13], [sflag:$0x2] =	stream.indirect.gather [hbm4b:s2+s10], $0x80, s22, s10, $0xb8;
	[tilespmem:$0x1E000] =	vst v63  }
0x1b: {  	s24 =	simm.s32 $0x100  }
0x1c: {  	[tilespmem:s15], [sflag:$0x3] =	stream.indirect.gather [hbm4b:s2+s10], $0x80, s24, s10, $0xb8;
	[tilespmem:$0x1E000] =	vst v63  }
0x1d: {  	s20 =	simm.s32 $0x180  }
0x1e: {  	[tilespmem:s17], [sflag:$0x4] =	stream.indirect.gather [hbm4b:s2+s10], $0x80, s20, s10, $0xb8;
	[tilespmem:$0x1E000] =	vst v63  }
0x1f: {  	s22 =	simm.s32 $0x200  }
0x20: {  	[tilespmem:s19], [sflag:$0x5] =	stream.indirect.gather [hbm4b:s2+s10], $0x80, s22, s10, $0xb8;
	[tilespmem:$0x1E000] =	vst v63  }
0x21: {  	s24 =	simm.s32 $0x280  }
0x22: {  	[tilespmem:s21], [sflag:$0x6] =	stream.indirect.gather [hbm4b:s2+s10], $0x80, s24, s10, $0xb8;
	[tilespmem:$0x1E000] =	vst v63  }
0x23: {  	s20 =	simm.s32 $0x300  }
0x24: {  	[tilespmem:s23], [sflag:$0x7] =	stream.indirect.gather [hbm4b:s2+s10], $0x80, s20, s10, $0xb8;
	[tilespmem:$0x1E000] =	vst v63  }
0x25: {  	s22 =	simm.s32 $0x380  }
0x26: {  	[tilespmem:s25], [sflag:$0x8] =	stream.indirect.gather [hbm4b:s2+s10], $0x80, s22, s10, $0xb8;
	[tilespmem:$0x1E000] =	vst v63  }
0x27: {  	_ =	swait.ge [sflag:s26], $0x2800  }
0x28: {  	[sflag:s26] =	ssyncset.done $0x0  }
0x29: {  	[sflag:s26] =	ssyncadd.s32 $0xFFFFD800  }
0x2a: {  	_ =	swait.ge [sflag:s28], $0x2800  }
0x2b: {  	[sflag:s28] =	ssyncset.done $0x0  }
0x2c: {  	[sflag:s28] =	ssyncadd.s32 $0xFFFFD800  }
0x2d: {  	_ =	swait.ge [sflag:s29], $0x2800  }
0x2e: {  	[sflag:s29] =	ssyncset.done $0x0  }
0x2f: {  	[sflag:s29] =	ssyncadd.s32 $0xFFFFD800  }
0x30: {  	_ =	swait.ge [sflag:s30], $0x2800  }
0x31: {  	[sflag:s30] =	ssyncset.done $0x0  }
0x32: {  	s20 =	sadd.s32 $0xFFFFEC00, s8;
	[sflag:s30] =	ssyncadd.s32 $0xFFFFD800  }
0x33: {  	[hbm4b:s20+s3] =	stream.linear.scatter [tilespmem:s11], [sflag:$0x9], $0xA000, $0x38;
	[tilespmem:$0x1E000] =	vst v63  }
0x34: {  	_ =	swait.ge [sflag:s31], $0x2800  }
0x35: {  	[sflag:s31] =	ssyncset.done $0x0  }
0x36: {  	[sflag:s31] =	ssyncadd.s32 $0xFFFFD800  }
0x37: {  	_ =	swait.ge [sflag:s1], $0x2800  }
0x38: {  	[sflag:s1] =	ssyncset.done $0x0  }
0x39: {  	[sflag:s1] =	ssyncadd.s32 $0xFFFFD800  }
0x3a: {  	_ =	swait.ge [sflag:s0], $0x2800  }
0x3b: {  	[sflag:s0] =	ssyncset.done $0x0  }
0x3c: {  	[sflag:s0] =	ssyncadd.s32 $0xFFFFD800  }
0x3d: {  	_ =	swait.ge [sflag:s12], $0x2800  }
0x3e: {  	[sflag:s12] =	ssyncset.done $0x0  }
0x3f: {  	[sflag:s12] =	ssyncadd.s32 $0xFFFFD800  }
0x40: {  	[hbm4b:s8+s3] =	stream.linear.scatter [tilespmem:s19], [sflag:$0xA], $0xA000, $0x38;
	[tilespmem:$0x1E000] =	vst v63  }
0x41: {  	_ =	swait.ge [sflag:s14], $0xA000  }
0x42: {  	[sflag:s14] =	ssyncset.done $0x0  }
0x43: {  	s24 =	simm.s32 $0x400;
	[sflag:s14] =	ssyncadd.s32 $0xFFFF6000  }
0x44: {  	[tilespmem:s11], [sflag:$0x1] =	stream.indirect.gather [hbm4b:s2+s10], $0x80, s24, s10, $0xb8;
	[tilespmem:$0x1E000] =	vst v63  }
0x45: {  	s4 =	simm.s32 $0x480  }
0x46: {  	[tilespmem:s13], [sflag:$0x2] =	stream.indirect.gather [hbm4b:s2+s10], $0x80, s4, s10, $0xb8;
	[tilespmem:$0x1E000] =	vst v63  }
0x47: {  	s22 =	simm.s32 $0x500  }
0x48: {  	[tilespmem:s15], [sflag:$0x3] =	stream.indirect.gather [hbm4b:s2+s10], $0x80, s22, s10, $0xb8;
	[tilespmem:$0x1E000] =	vst v63  }
0x49: {  	s24 =	simm.s32 $0x580  }
0x4a: {  	[tilespmem:s17], [sflag:$0x4] =	stream.indirect.gather [hbm4b:s2+s10], $0x80, s24, s10, $0xb8;
	[tilespmem:$0x1E000] =	vst v63  }
0x4b: {  	_ =	swait.ge [sflag:s16], $0xA000  }
0x4c: {  	[sflag:s16] =	ssyncset.done $0x0  }
0x4d: {  	s4 =	simm.s32 $0x600;
	[sflag:s16] =	ssyncadd.s32 $0xFFFF6000  }
0x4e: {  	[tilespmem:s19], [sflag:$0x5] =	stream.indirect.gather [hbm4b:s2+s10], $0x80, s4, s10, $0xb8;
	[tilespmem:$0x1E000] =	vst v63  }
0x4f: {  	s22 =	simm.s32 $0x680  }
0x50: {  	[tilespmem:s21], [sflag:$0x6] =	stream.indirect.gather [hbm4b:s2+s10], $0x80, s22, s10, $0xb8;
	[tilespmem:$0x1E000] =	vst v63  }
0x51: {  	s24 =	simm.s32 $0x700  }
0x52: {  	[tilespmem:s23], [sflag:$0x7] =	stream.indirect.gather [hbm4b:s2+s10], $0x80, s24, s10, $0xb8;
	[tilespmem:$0x1E000] =	vst v63  }
0x53: {  	s20 =	simm.s32 $0x1000;
	s22 =	sadd.s32 $0x2800, s8;
	s24 =	simm.s32 $0x780  }
.LBB2_2:
0x54: {  	[tilespmem:s25], [sflag:$0x8] =	stream.indirect.gather [hbm4b:s2+s10], $0x80, s24, s10, $0xb8;
	[tilespmem:$0x1E000] =	vst v63  }
0x55: {  	s24 =	smov.u32 s20  }
0x56: {  	p0 =	sne.s32 s20, $0x26000;
	s20 =	sadd.s32 $0x1000, s20;
	_ =	swait.ge [sflag:s26], $0x2800  }
0x57: {  	[sflag:s26] =	ssyncset.done $0x0  }
0x58: {  	[sflag:s26] =	ssyncadd.s32 $0xFFFFD800  }
0x59: {  	_ =	swait.ge [sflag:s28], $0x2800  }
0x5a: {  	[sflag:s28] =	ssyncset.done $0x0  }
0x5b: {  	[sflag:s28] =	ssyncadd.s32 $0xFFFFD800  }
0x5c: {  	_ =	swait.ge [sflag:s29], $0x2800  }
0x5d: {  	[sflag:s29] =	ssyncset.done $0x0  }
0x5e: {  	[sflag:s29] =	ssyncadd.s32 $0xFFFFD800  }
0x5f: {  	_ =	swait.ge [sflag:s30], $0x2800  }
0x60: {  	[sflag:s30] =	ssyncset.done $0x0  }
0x61: {  	s4 =	sadd.s32 $0xFFFFEC00, s22;
	[sflag:s30] =	ssyncadd.s32 $0xFFFFD800  }
0x62: {  	[hbm4b:s4+s3] =	stream.linear.scatter [tilespmem:s11], [sflag:$0x9], $0xA000, $0x38;
	[tilespmem:$0x1E000] =	vst v63  }
0x63: {  	_ =	swait.ge [sflag:s31], $0x2800  }
0x64: {  	[sflag:s31] =	ssyncset.done $0x0  }
0x65: {  	[sflag:s31] =	ssyncadd.s32 $0xFFFFD800  }
0x66: {  	_ =	swait.ge [sflag:s1], $0x2800  }
0x67: {  	[sflag:s1] =	ssyncset.done $0x0  }
0x68: {  	[sflag:s1] =	ssyncadd.s32 $0xFFFFD800  }
0x69: {  	_ =	swait.ge [sflag:s0], $0x2800  }
0x6a: {  	[sflag:s0] =	ssyncset.done $0x0  }
0x6b: {  	[sflag:s0] =	ssyncadd.s32 $0xFFFFD800  }
0x6c: {  	_ =	swait.ge [sflag:s12], $0x2800  }
0x6d: {  	[sflag:s12] =	ssyncset.done $0x0  }
0x6e: {  	[sflag:s12] =	ssyncadd.s32 $0xFFFFD800  }
0x6f: {  	[hbm4b:s22+s3] =	stream.linear.scatter [tilespmem:s19], [sflag:$0xA], $0xA000, $0x38;
	[tilespmem:$0x1E000] =	vst v63  }
0x70: {  	_ =	swait.ge [sflag:s14], $0xA000  }
0x71: {  	s4 =	sshra.s32 s24, $0x2;
	[sflag:s14] =	ssyncset.done $0x0  }
0x72: {  	s24 =	sadd.s32 $0x400, s4;
	[sflag:s14] =	ssyncadd.s32 $0xFFFF6000  }
0x73: {  	[tilespmem:s11], [sflag:$0x1] =	stream.indirect.gather [hbm4b:s2+s10], $0x80, s24, s10, $0xb8;
	[tilespmem:$0x1E000] =	vst v63  }
0x74: {  	s24 =	sadd.s32 $0x480, s4  }
0x75: {  	[tilespmem:s13], [sflag:$0x2] =	stream.indirect.gather [hbm4b:s2+s10], $0x80, s24, s10, $0xb8;
	[tilespmem:$0x1E000] =	vst v63  }
0x76: {  	s24 =	sadd.s32 $0x500, s4  }
0x77: {  	[tilespmem:s15], [sflag:$0x3] =	stream.indirect.gather [hbm4b:s2+s10], $0x80, s24, s10, $0xb8;
	[tilespmem:$0x1E000] =	vst v63  }
0x78: {  	s24 =	sadd.s32 $0x580, s4  }
0x79: {  	[tilespmem:s17], [sflag:$0x4] =	stream.indirect.gather [hbm4b:s2+s10], $0x80, s24, s10, $0xb8;
	[tilespmem:$0x1E000] =	vst v63  }
0x7a: {  	_ =	swait.ge [sflag:s16], $0xA000  }
0x7b: {  	[sflag:s16] =	ssyncset.done $0x0  }
0x7c: {  	s24 =	sadd.s32 $0x600, s4;
	[sflag:s16] =	ssyncadd.s32 $0xFFFF6000  }
0x7d: {  	[tilespmem:s19], [sflag:$0x5] =	stream.indirect.gather [hbm4b:s2+s10], $0x80, s24, s10, $0xb8;
	[tilespmem:$0x1E000] =	vst v63  }
.Ltmp0:
0x7e: {  	s24 =	sadd.s32 $0x680, s4;
	(pc) =	sbr.rel @p0 .LBB2_2-.Ltmp0, $4  }
0x7f: {  	[tilespmem:s21], [sflag:$0x6] =	stream.indirect.gather [hbm4b:s2+s10], $0x80, s24, s10, $0xb8;
	[tilespmem:$0x1E000] =	vst v63  }
0x80: {  	s24 =	sadd.s32 $0x700, s4  }
0x81: {  	[tilespmem:s23], [sflag:$0x7] =	stream.indirect.gather [hbm4b:s2+s10], $0x80, s24, s10, $0xb8;
	[tilespmem:$0x1E000] =	vst v63  }
0x82: {  	s22 =	sadd.s32 $0x2800, s22;
	s24 =	sadd.s32 $0x780, s4  }
0x83: {  	[tilespmem:s25], [sflag:$0x8] =	stream.indirect.gather [hbm4b:s2+s10], $0x80, s24, s10, $0xb8;
	[tilespmem:$0x1E000] =	vst v63  }
0x84: {  	_ =	swait.ge [sflag:s26], $0x2800  }
0x85: {  	[sflag:s26] =	ssyncset.done $0x0  }
0x86: {  	[sflag:s26] =	ssyncadd.s32 $0xFFFFD800  }
0x87: {  	_ =	swait.ge [sflag:s28], $0x2800  }
0x88: {  	[sflag:s28] =	ssyncset.done $0x0  }
0x89: {  	[sflag:s28] =	ssyncadd.s32 $0xFFFFD800  }
0x8a: {  	_ =	swait.ge [sflag:s29], $0x2800  }
0x8b: {  	[sflag:s29] =	ssyncset.done $0x0  }
0x8c: {  	[sflag:s29] =	ssyncadd.s32 $0xFFFFD800  }
0x8d: {  	_ =	swait.ge [sflag:s30], $0x2800  }
0x8e: {  	[sflag:s30] =	ssyncset.done $0x0  }
0x8f: {  	[sflag:s30] =	ssyncadd.s32 $0xFFFFD800  }
0x90: {  	[hbm4b:s5+s3] =	stream.linear.scatter [tilespmem:s11], [sflag:$0x9], $0xA000, $0x38;
	[tilespmem:$0x1E000] =	vst v63  }
0x91: {  	_ =	swait.ge [sflag:s31], $0x2800  }
0x92: {  	[sflag:s31] =	ssyncset.done $0x0  }
0x93: {  	[sflag:s31] =	ssyncadd.s32 $0xFFFFD800  }
0x94: {  	_ =	swait.ge [sflag:s1], $0x2800  }
0x95: {  	[sflag:s1] =	ssyncset.done $0x0  }
0x96: {  	[sflag:s1] =	ssyncadd.s32 $0xFFFFD800  }
0x97: {  	_ =	swait.ge [sflag:s0], $0x2800  }
0x98: {  	[sflag:s0] =	ssyncset.done $0x0  }
0x99: {  	[sflag:s0] =	ssyncadd.s32 $0xFFFFD800  }
0x9a: {  	_ =	swait.ge [sflag:s12], $0x2800  }
0x9b: {  	[sflag:s12] =	ssyncset.done $0x0  }
0x9c: {  	s18 =	sadd.s32 $0x1, s18;
	[sflag:s12] =	ssyncadd.s32 $0xFFFFD800  }
0x9d: {  	[hbm4b:s6+s3] =	stream.linear.scatter [tilespmem:s19], [sflag:$0xA], $0xA000, $0x38;
	[tilespmem:$0x1E000] =	vst v63  }
0x9e: {  	p0 =	sne.s32 s18, s7;
	_ =	swait.ge [sflag:s14], $0xA000  }
.Ltmp1:
0x9f: {  	[sflag:s14] =	ssyncset.done $0x0;
	(pc) =	sbr.rel @p0 .LBB2_1-.Ltmp1, $4  }
0xa0: {  	[sflag:s14] =	ssyncadd.s32 $0xFFFF6000  }
0xa1: {  	_ =	swait.ge [sflag:s16], $0xA000  }
0xa2: {  	[sflag:s16] =	ssyncset.done $0x0  }
0xa3: {  	[sflag:s16] =	ssyncadd.s32 $0xFFFF6000  }
0xa4: {  	_ =	sfence.sel $0x180000  }
0xa5: {  	[bflag:$0x0] =	sbarrier.arrive $0xFFFF  }
0xa6: {  	_ =	strace $0x90000047  }
0xa7: {  	s0 =	stileid.u32;
	[bflag:$0x2] =	sbarrier.arrive $0xFFFF  }
0xa8: {  	p0 =	sne.s32 s0, $0x0;
	s0 =	rddreg [dreg:$0x3]  }
0xa9: {  	s0 =	sadd.s32 @!p0 $0x100000, s0  }
0xaa: {  	[sflag:s0] =	ssyncadd.tile.s32 @!p0 $0x1;
	_ =	shalt  }
.Lfunc_end2:
_tile_overlayer_lowered:
.L_overlay_start_2:
0xab: {  	(tag) =	ssettag $0x2  }
0xac: {  	s0 =	rddreg [dreg:$0x0];
	s2 =	stileid.u32  }
0xad: {  	s1 =	rddreg [dreg:$0x1];
	p0 =	sne.s32 s2, $0x0  }
0xae: {  	s3 =	rddreg [dreg:$0x2];
	[bflag:$0x3] =	sbarrier.arrive $0xFFFF;
	s2 =	simm.s32 @!p0 $0x1C0B  }
0xaf: {  	[timem:s3], [sflag:s2] =	dma.local @!p0 [hbm:s0], s1  }
0xb0: {  	s0 =	simm.s32 @!p0 $0xB  }
0xb1: {  	_ =	swait.ge @!p0 [sflag:s0], s1  }
0xb2: {  	s1 =	ssub.s32 @!p0 $0x0, s1;
	[sflag:s0] =	ssyncset.done @!p0 $0x0  }
0xb3: {  	[sflag:s0] =	ssyncadd.s32 @!p0 s1  }
0xb4: {  	[bflag:$0x3] =	sbarrier.arrive $0xFFFF  }
0xb5: {  	_ =	shalt  }

</sc_bundles>
